<compile_context>
chip_gen: v7x
topology: tpu7x:2x2x1
jax: 0.10.2.dev20260603
libtpu: 0.0.44.dev20260713+nightly
codegen_flags: <defaults>
</compile_context>

<pallas_src>
import functools

import jax
import jax.numpy as jnp
from jax import lax
from jax.experimental import pallas as pl
from jax.experimental.pallas import tpu as pltpu
from jax.experimental.pallas import tpu_sc as plsc

B = 4096
F = 26
D = 16
V = 100000
NUM = 13
H1, H2 = 512, 256

NC, NS = 2, 16
NW = NC * NS
SL = 32
BPW = B // NW
CH = 128


def _sc_gather_body(idx_hbm, idx16_hbm, emb_hbm, lr16_hbm, out_emb, out_lr,
                    idx_v, rows_v, rows128, sem):
    wid = lax.axis_index("s") * NC + lax.axis_index("c")

    def drain(n):
        def go(j, carry):
            pltpu.make_async_copy(
                lr16_hbm.at[pl.ds(0, CH)],
                rows_v.at[pl.ds(0, CH)], sem).wait()
            return carry
        lax.fori_loop(0, n, go, 0)

    def repack_and_copy(dst):
        def go(b, carry):
            for s in range(F):
                rows128[s // 8, b, pl.ds((s % 8) * D, D)] = (
                    rows_v[s * CH + b])
            return carry
        lax.fori_loop(0, BPW, go, 0)
        pltpu.sync_copy(rows128, dst.at[:, pl.ds(wid * BPW, BPW), :])

    pltpu.sync_copy(idx_hbm.at[wid], idx_v)

    def fire_emb(s, carry):
        pltpu.async_copy(emb_hbm.at[s].at[idx_v.at[s]],
                         rows_v.at[pl.ds(s * CH, CH)], sem)
        return carry
    lax.fori_loop(0, F, fire_emb, 0)
    drain(F)
    repack_and_copy(out_emb)

    pltpu.sync_copy(idx16_hbm.at[wid], idx_v)

    def fire_lr(s, carry):
        pltpu.async_copy(lr16_hbm.at[idx_v.at[s]],
                         rows_v.at[pl.ds(s * CH, CH)], sem)
        return carry
    lax.fori_loop(0, F, fire_lr, 0)
    drain(F)
    repack_and_copy(out_lr)


@functools.lru_cache(maxsize=None)
def _sc_gather():
    mesh = plsc.VectorSubcoreMesh(core_axis_name="c", subcore_axis_name="s")
    return pl.kernel(
        _sc_gather_body,
        mesh=mesh,
        compiler_params=pltpu.CompilerParams(use_tc_tiling_on_sc=False),
        out_type=(
            jax.ShapeDtypeStruct((4, B, 128), jnp.float32),
            jax.ShapeDtypeStruct((4, B, 128), jnp.float32),
        ),
        scratch_types=[
            pltpu.VMEM((F, CH), jnp.int32),
            pltpu.VMEM((F * CH, D), jnp.float32),
            pltpu.VMEM((4, BPW, 128), jnp.float32),
            pltpu.SemaphoreType.DMA,
        ],
    )


TB = 512
W = SL * D


def _dotT(x, w):
    return lax.dot_general(x, w, (((1,), (1,)), ((), ())),
                           precision=lax.Precision.HIGHEST,
                           preferred_element_type=jnp.float32)


def _dot(x, w):
    return lax.dot_general(x, w, (((1,), (0,)), ((), ())),
                           precision=lax.Precision.HIGHEST,
                           preferred_element_type=jnp.float32)


def _widen(x4):
    return jnp.concatenate([x4[0], x4[1], x4[2], x4[3]], axis=1)


def _tc_body(flat4_ref, xnum_ref, lr4_ref, lane_ref, w1e_ref, w1n_ref, b1_ref,
             w2_ref, b2_ref, w3_ref, b3_ref, lrw_ref, lrb_ref, out_ref):
    lanes = lax.broadcasted_iota(jnp.int32, (TB, W), 1)
    valid = lanes < F * D
    flat = jnp.where(valid, _widen(flat4_ref[...]), 0.0)
    xnum = xnum_ref[...]
    h = _dotT(flat, w1e_ref[...]) + _dotT(xnum, w1n_ref[...]) + b1_ref[...]
    h = jnp.maximum(h, 0.0)
    h = jnp.maximum(_dotT(h, w2_ref[...]) + b2_ref[...], 0.0)
    dnn = jnp.sum(h * w3_ref[...], axis=1, keepdims=True) + b3_ref[0, 0]
    jj = lax.broadcasted_iota(jnp.int32, (W, D), 0)
    dd = lax.broadcasted_iota(jnp.int32, (W, D), 1)
    p = jnp.where(jj % D == dd, 1.0, 0.0).astype(jnp.float32)
    sum_emb = _dot(flat, p)
    sum_sq = jnp.sum(sum_emb * sum_emb, axis=1, keepdims=True)
    sq_sum = jnp.sum(flat * flat, axis=1, keepdims=True)
    fm = 0.5 * (sum_sq - sq_sum)
    lr512 = jnp.where(valid, _widen(lr4_ref[...]), 0.0)
    ff = lax.broadcasted_iota(jnp.int32, (F, W), 0)
    cc = lax.broadcasted_iota(jnp.int32, (F, W), 1)
    e = jnp.where(cc // D == ff, 1.0, 0.0).astype(jnp.float32)
    lane_exp = _dot(lane_ref[...], e)
    mod16 = (lanes % D).astype(jnp.float32)
    sel = jnp.where((lane_exp == mod16) & valid, 1.0, 0.0)
    lr_sum = jnp.sum(lr512 * sel, axis=1, keepdims=True)
    lin = (lrb_ref[0, 0] + lr_sum
           + jnp.sum(xnum * lrw_ref[...], axis=1, keepdims=True))
    out_ref[...] = dnn + fm + lin


@functools.lru_cache(maxsize=None)
def _tc_call():
    grid = (B // TB,)
    row = lambda i: (i, 0)
    row3 = lambda i: (0, i, 0)
    rep = lambda i: (0, 0)
    return pl.pallas_call(
        _tc_body,
        grid=grid,
        in_specs=[
            pl.BlockSpec((4, TB, 128), row3),
            pl.BlockSpec((TB, NUM), row),
            pl.BlockSpec((4, TB, 128), row3),
            pl.BlockSpec((TB, F), row),
            pl.BlockSpec((H1, W), rep),
            pl.BlockSpec((H1, NUM), rep),
            pl.BlockSpec((1, H1), rep),
            pl.BlockSpec((H2, H1), rep),
            pl.BlockSpec((1, H2), rep),
            pl.BlockSpec((1, H2), rep),
            pl.BlockSpec((1, 1), rep),
            pl.BlockSpec((1, NUM), rep),
            pl.BlockSpec((1, 1), rep),
        ],
        out_specs=pl.BlockSpec((TB, 1), row),
        out_shape=jax.ShapeDtypeStruct((B, 1), jnp.float32),
    )


def kernel(x_cat, x_num, emb_tables, lr_tables, lr_w, lr_bias,
           W1, b1, W2, b2, W3, b3):
    xc = x_cat.astype(jnp.int32)
    offs = (jnp.arange(F, dtype=jnp.int32) * V)[None, :]
    lane_f = ((xc + offs) % D).astype(jnp.float32)

    def slot_major(a):
        return a.reshape(NW, BPW, F).transpose(0, 2, 1)

    idxf = slot_major(xc)
    idx16 = slot_major((xc + offs) // D)
    lr16_flat = lr_tables.reshape(F * V // D, D)
    flat4, lr4 = _sc_gather()(idxf, idx16, emb_tables, lr16_flat)
    w1e = jnp.pad(W1[:, :F * D], ((0, 0), (0, W - F * D)))
    return _tc_call()(
        flat4, x_num, lr4, lane_f,
        w1e, W1[:, F * D:], b1.reshape(1, H1),
        W2, b2.reshape(1, H2),
        W3, b3.reshape(1, 1),
        lr_w, lr_bias.reshape(1, 1),
    )

# --- scband reference (transcript-rebuilt; emitter-appended) ---
"""Pipeline reference for scband-deep-fmmodel-56126632624559 (READ-ONLY COPY).

The authoritative reference and input builder live on the scoring server;
editing this copy changes nothing except your own understanding.
"""

import jax, jax.numpy as jnp
import numpy as np

N_FIELDS = 26
VOCAB = 100000
EMBED_DIM = 16
NUM_DIM = 13
BATCH = 4096
H1, H2 = 512, 256
INPUT_DIM = N_FIELDS * EMBED_DIM + NUM_DIM


def setup_inputs(seed: int = 0) -> dict:
    key = jax.random.key(seed)
    ks = jax.random.split(key, 12)
    x_cat = jax.random.randint(ks[0], (BATCH, N_FIELDS), 0, VOCAB, dtype=jnp.int64 if jax.config.jax_enable_x64 else jnp.int32)
    x_num = jax.random.normal(ks[1], (BATCH, NUM_DIM), dtype=jnp.float32)
    emb_tables = jax.random.normal(ks[2], (N_FIELDS, VOCAB, EMBED_DIM), dtype=jnp.float32) * 0.01
    lr_tables = jax.random.normal(ks[3], (N_FIELDS, VOCAB, 1), dtype=jnp.float32) * 0.01
    lr_w = jax.random.normal(ks[4], (1, NUM_DIM), dtype=jnp.float32) * 0.1
    lr_bias = jnp.zeros((1,), dtype=jnp.float32)
    W1 = jax.random.normal(ks[5], (H1, INPUT_DIM), dtype=jnp.float32) * (1.0 / np.sqrt(INPUT_DIM))
    b1 = jnp.zeros((H1,), dtype=jnp.float32)
    W2 = jax.random.normal(ks[6], (H2, H1), dtype=jnp.float32) * (1.0 / np.sqrt(H1))
    b2 = jnp.zeros((H2,), dtype=jnp.float32)
    W3 = jax.random.normal(ks[7], (1, H2), dtype=jnp.float32) * (1.0 / np.sqrt(H2))
    b3 = jnp.zeros((1,), dtype=jnp.float32)
    return {"x_cat": x_cat, "x_num": x_num, "emb_tables": emb_tables, "lr_tables": lr_tables,
            "lr_w": lr_w, "lr_bias": lr_bias, "W1": W1, "b1": b1, "W2": W2, "b2": b2, "W3": W3, "b3": b3}


def reference(x_cat, x_num, emb_tables, lr_tables, lr_w, lr_bias, W1, b1, W2, b2, W3, b3):
    field_idx = jnp.arange(N_FIELDS)[None, :]  # [1, F]
    # ---- LR part ----
    lr_emb = lr_tables[field_idx, x_cat]          # [B, F, 1]
    linear_out = lr_bias + lr_emb.sum(axis=1)      # [B, 1]
    linear_out = linear_out + x_num @ lr_w.T       # [B, 1]
    # ---- FM part ----
    embs = emb_tables[field_idx, x_cat]            # [B, F, D] gather per field
    sum_emb = embs.sum(axis=1)                     # [B, D]
    sum_square = sum_emb * sum_emb
    square_sum = (embs * embs).sum(axis=1)
    fm_out = 0.5 * (sum_square - square_sum).sum(axis=1, keepdims=True)  # [B, 1]
    # ---- DNN part ----
    flat = embs.reshape(embs.shape[0], -1)         # [B, F*D]
    dnn_in = jnp.concatenate([flat, x_num], axis=1)
    h = jax.nn.relu(dnn_in @ W1.T + b1)
    h = jax.nn.relu(h @ W2.T + b2)
    dnn_out = h @ W3.T + b3                        # [B, 1]
    return linear_out + fm_out + dnn_out

if __name__ == "__main__":
    import jax
    _d = setup_inputs()
    print(jax.jit(kernel)(*tuple(_d.values())))

</pallas_src>

<mosaic_0001>
#map = affine_map<(d0, d1) -> (0, 0, 0)>
#map1 = affine_map<(d0, d1) -> (0, 0)>
module attributes {stable_mosaic.version = 14 : i64} {
  func.func @_sc_gather_body(%arg0: i32, %arg1: i32, %arg2: memref<32x26x128xi32, #tpu.memory_space<hbm>>, %arg3: memref<32x26x128xi32, #tpu.memory_space<hbm>>, %arg4: memref<26x100000x16xf32, #tpu.memory_space<hbm>>, %arg5: memref<162500x16xf32, #tpu.memory_space<hbm>>, %arg6: memref<4x4096x128xf32, #tpu.memory_space<hbm>>, %arg7: memref<4x4096x128xf32, #tpu.memory_space<hbm>>, %arg8: memref<26x128xi32, #tpu.memory_space<vmem>>, %arg9: memref<3328x16xf32, #tpu.memory_space<vmem>>, %arg10: memref<4x128x128xf32, #tpu.memory_space<vmem>>, %arg11: memref<!tpu.dma_semaphore, #tpu.memory_space<semaphore_mem>>) attributes {dimension_semantics = [#tpu.dimension_semantics<core_parallel>, #tpu.dimension_semantics<subcore_parallel>], iteration_bounds = array<i64: 2, 16>, scalar_prefetch = 0 : i64, scratch_operands = 4 : i64, tpu.core_type = #tpu.core_type<sc_vector_subcore>, window_params = [{transform_indices = #map}, {transform_indices = #map}, {transform_indices = #map}, {transform_indices = #map1}, {transform_indices = #map}, {transform_indices = #map}]} {
    %mul3A = arith.constant 2 : i32
    %mul3A_0 = arith.muli %arg1, %mul3A : i32
    %add3A = arith.addi %mul3A_0, %arg0 : i32
    "tpu.region"() ({
      %run_scoped3A = tpu.sem_alloc : memref<!tpu.dma_semaphore, #tpu.memory_space<semaphore_mem>>
      %dma_start3A = arith.constant 0 : i32
      %dma_start3A_40 = arith.constant 0 : i32
      %dma_start3A_41 = tpu.memref_slice %arg2[%add3A, %dma_start3A, %dma_start3A_40] : memref<32x26x128xi32, #tpu.memory_space<hbm>> -> memref<1x26x128xi32, #tpu.memory_space<hbm>>
      %dma_start3A_42 = tpu.memref_squeeze %dma_start3A_41 : memref<1x26x128xi32, #tpu.memory_space<hbm>> -> memref<26x128xi32, #tpu.memory_space<hbm>>
      %dma_start3A_43 = arith.constant 0 : i32
      %dma_start3A_44 = arith.constant 0 : i32
      %dma_start3A_45 = tpu.memref_slice %arg2[%add3A, %dma_start3A_43, %dma_start3A_44] : memref<32x26x128xi32, #tpu.memory_space<hbm>> -> memref<1x26x128xi32, #tpu.memory_space<hbm>>
      %dma_start3A_46 = tpu.memref_squeeze %dma_start3A_45 : memref<1x26x128xi32, #tpu.memory_space<hbm>> -> memref<26x128xi32, #tpu.memory_space<hbm>>
      tpu.enqueue_dma source(%dma_start3A_46 : memref<26x128xi32, #tpu.memory_space<hbm>>) target(%arg8 : memref<26x128xi32, #tpu.memory_space<vmem>>) target_semaphore(%run_scoped3A : memref<!tpu.dma_semaphore, #tpu.memory_space<semaphore_mem>>)
      %dma_wait3A = arith.constant 0 : i32
      %dma_wait3A_47 = arith.constant 0 : i32
      %dma_wait3A_48 = tpu.memref_slice %arg2[%add3A, %dma_wait3A, %dma_wait3A_47] : memref<32x26x128xi32, #tpu.memory_space<hbm>> -> memref<1x26x128xi32, #tpu.memory_space<hbm>>
      %dma_wait3A_49 = tpu.memref_squeeze %dma_wait3A_48 : memref<1x26x128xi32, #tpu.memory_space<hbm>> -> memref<26x128xi32, #tpu.memory_space<hbm>>
      %dma_wait3A_50 = arith.constant 0 : i32
      %dma_wait3A_51 = arith.constant 0 : i32
      %dma_wait3A_52 = tpu.memref_slice %arg2[%add3A, %dma_wait3A_50, %dma_wait3A_51] : memref<32x26x128xi32, #tpu.memory_space<hbm>> -> memref<1x26x128xi32, #tpu.memory_space<hbm>>
      %dma_wait3A_53 = tpu.memref_squeeze %dma_wait3A_52 : memref<1x26x128xi32, #tpu.memory_space<hbm>> -> memref<26x128xi32, #tpu.memory_space<hbm>>
      tpu.wait_dma2 semaphore(%run_scoped3A : memref<!tpu.dma_semaphore, #tpu.memory_space<semaphore_mem>>) src(%dma_wait3A_53 : memref<26x128xi32, #tpu.memory_space<hbm>>) dst(%arg8 : memref<26x128xi32, #tpu.memory_space<vmem>>)
      tpu.yield
    }) : () -> ()
    %scan3A = arith.constant 0 : i32
    %scan3A_1 = arith.constant 0 : i32
    %scan3A_2 = arith.constant 26 : i32
    %scan3A_3 = arith.addi %scan3A_1, %scan3A_2 : i32
    %scan3A_4 = arith.constant 1 : i32
    scf.for %scan3A_40 = %scan3A_1 to %scan3A_3 step %scan3A_4  : i32 {
      %mul3A_41 = arith.constant 128 : i32
      %mul3A_42 = arith.muli %scan3A_40, %mul3A_41 : i32
      %dma_start3A = arith.constant 0 : i32
      %dma_start3A_43 = tpu.memref_slice %arg9[%mul3A_42, %dma_start3A] : memref<3328x16xf32, #tpu.memory_space<vmem>> -> memref<128x16xf32, #tpu.memory_space<vmem>>
      %dma_start3A_44 = arith.constant 0 : i32
      %dma_start3A_45 = tpu.memref_slice %arg8[%scan3A_40, %dma_start3A_44] : memref<26x128xi32, #tpu.memory_space<vmem>> -> memref<1x128xi32, #tpu.memory_space<vmem>>
      %dma_start3A_46 = tpu.memref_squeeze %dma_start3A_45 : memref<1x128xi32, #tpu.memory_space<vmem>> -> memref<128xi32, #tpu.memory_space<vmem>>
      %dma_start3A_47 = arith.constant 0 : i32
      %dma_start3A_48 = arith.constant 0 : i32
      %dma_start3A_49 = tpu.memref_slice %arg4[%scan3A_40, %dma_start3A_47, %dma_start3A_48] : memref<26x100000x16xf32, #tpu.memory_space<hbm>> -> memref<1x100000x16xf32, #tpu.memory_space<hbm>>
      %dma_start3A_50 = tpu.memref_squeeze %dma_start3A_49 : memref<1x100000x16xf32, #tpu.memory_space<hbm>> -> memref<100000x16xf32, #tpu.memory_space<hbm>>
      %dma_start3A_51 = arith.constant 0 : i32
      %dma_start3A_52 = arith.constant 0 : i32
      %dma_start3A_53 = tpu.memref_slice %dma_start3A_50[%dma_start3A_51, %dma_start3A_52] : memref<100000x16xf32, #tpu.memory_space<hbm>> -> memref<100000x16xf32, #tpu.memory_space<hbm>>
      tpu.enqueue_indirect_dma source(%dma_start3A_53 : memref<100000x16xf32, #tpu.memory_space<hbm>>) target(%dma_start3A_43 : memref<128x16xf32, #tpu.memory_space<vmem>>) offsets(%dma_start3A_46 : memref<128xi32, #tpu.memory_space<vmem>>) semaphore(%arg11 : memref<!tpu.dma_semaphore, #tpu.memory_space<semaphore_mem>>)
    }
    %scan3A_5 = arith.constant 26 : i32
    %scan3A_6 = arith.constant 0 : i32
    %scan3A_7 = arith.constant 0 : i32
    %scan3A_8 = arith.constant 26 : i32
    %scan3A_9 = arith.addi %scan3A_7, %scan3A_8 : i32
    %scan3A_10 = arith.constant 1 : i32
    scf.for %scan3A_40 = %scan3A_7 to %scan3A_9 step %scan3A_10  : i32 {
      %dma_wait3A = arith.constant 0 : i32
      %dma_wait3A_41 = arith.constant 0 : i32
      %dma_wait3A_42 = tpu.memref_slice %arg9[%dma_wait3A, %dma_wait3A_41] : memref<3328x16xf32, #tpu.memory_space<vmem>> -> memref<128x16xf32, #tpu.memory_space<vmem>>
      %dma_wait3A_43 = arith.constant 0 : i32
      %dma_wait3A_44 = arith.constant 0 : i32
      %dma_wait3A_45 = tpu.memref_slice %arg5[%dma_wait3A_43, %dma_wait3A_44] : memref<162500x16xf32, #tpu.memory_space<hbm>> -> memref<128x16xf32, #tpu.memory_space<hbm>>
      %dma_wait3A_46 = arith.constant 0 : i32
      %dma_wait3A_47 = arith.constant 0 : i32
      %dma_wait3A_48 = tpu.memref_slice %arg9[%dma_wait3A_46, %dma_wait3A_47] : memref<3328x16xf32, #tpu.memory_space<vmem>> -> memref<128x16xf32, #tpu.memory_space<vmem>>
      %dma_wait3A_49 = arith.constant 0 : i32
      %dma_wait3A_50 = arith.constant 0 : i32
      %dma_wait3A_51 = tpu.memref_slice %arg5[%dma_wait3A_49, %dma_wait3A_50] : memref<162500x16xf32, #tpu.memory_space<hbm>> -> memref<128x16xf32, #tpu.memory_space<hbm>>
      tpu.wait_dma2 semaphore(%arg11 : memref<!tpu.dma_semaphore, #tpu.memory_space<semaphore_mem>>) src(%dma_wait3A_51 : memref<128x16xf32, #tpu.memory_space<hbm>>) dst(%dma_wait3A_48 : memref<128x16xf32, #tpu.memory_space<vmem>>)
    }
    %scan3A_11 = arith.constant 26 : i32
    %scan3A_12 = arith.constant 0 : i32
    %scan3A_13 = arith.constant 0 : i32
    %scan3A_14 = arith.constant 128 : i32
    %scan3A_15 = arith.addi %scan3A_13, %scan3A_14 : i32
    %scan3A_16 = arith.constant 1 : i32
    scf.for %scan3A_40 = %scan3A_13 to %scan3A_15 step %scan3A_16  : i32 {
      %add3A_41 = arith.constant 0 : i32
      %add3A_42 = arith.addi %add3A_41, %scan3A_40 : i32
      %get3A = arith.index_cast %add3A_42 : i32 to index
      %get3A_43 = arith.constant 0 : index
      %get3A_44 = tpu.vector_load %arg9[%get3A, %get3A_43] {strides = array<i32>} : memref<3328x16xf32, #tpu.memory_space<vmem>>, vector<1x16xf32>,
      %get3A_45 = vector.shape_cast %get3A_44 : vector<1x16xf32> to vector<16xf32>
      %swap3A = arith.constant 0 : i32
      %swap3A_46 = arith.index_cast %swap3A : i32 to index
      %swap3A_47 = arith.index_cast %scan3A_40 : i32 to index
      %swap3A_48 = arith.constant 0 : index
      %swap3A_49 = tpu.vector_load %arg10[%swap3A_46, %swap3A_47, %swap3A_48] {strides = array<i32>} : memref<4x128x128xf32, #tpu.memory_space<vmem>>, vector<1x1x16xf32>,
      %swap3A_50 = vector.shape_cast %swap3A_49 : vector<1x1x16xf32> to vector<16xf32>
      %swap3A_51 = vector.shape_cast %get3A_45 : vector<16xf32> to vector<1x1x16xf32>
      tpu.vector_store %arg10[%swap3A_46, %swap3A_47, %swap3A_48], %swap3A_51 {strides = array<i32>} : memref<4x128x128xf32, #tpu.memory_space<vmem>>, vector<1x1x16xf32>,
      %add3A_52 = arith.constant 128 : i32
      %add3A_53 = arith.addi %add3A_52, %scan3A_40 : i32
      %get3A_54 = arith.index_cast %add3A_53 : i32 to index
      %get3A_55 = arith.constant 0 : index
      %get3A_56 = tpu.vector_load %arg9[%get3A_54, %get3A_55] {strides = array<i32>} : memref<3328x16xf32, #tpu.memory_space<vmem>>, vector<1x16xf32>,
      %get3A_57 = vector.shape_cast %get3A_56 : vector<1x16xf32> to vector<16xf32>
      %swap3A_58 = arith.constant 0 : i32
      %swap3A_59 = arith.index_cast %swap3A_58 : i32 to index
      %swap3A_60 = arith.index_cast %scan3A_40 : i32 to index
      %swap3A_61 = arith.constant 16 : index
      %swap3A_62 = tpu.vector_load %arg10[%swap3A_59, %swap3A_60, %swap3A_61] {strides = array<i32>} : memref<4x128x128xf32, #tpu.memory_space<vmem>>, vector<1x1x16xf32>,
      %swap3A_63 = vector.shape_cast %swap3A_62 : vector<1x1x16xf32> to vector<16xf32>
      %swap3A_64 = vector.shape_cast %get3A_57 : vector<16xf32> to vector<1x1x16xf32>
      tpu.vector_store %arg10[%swap3A_59, %swap3A_60, %swap3A_61], %swap3A_64 {strides = array<i32>} : memref<4x128x128xf32, #tpu.memory_space<vmem>>, vector<1x1x16xf32>,
      %add3A_65 = arith.constant 256 : i32
      %add3A_66 = arith.addi %add3A_65, %scan3A_40 : i32
      %get3A_67 = arith.index_cast %add3A_66 : i32 to index
      %get3A_68 = arith.constant 0 : index
      %get3A_69 = tpu.vector_load %arg9[%get3A_67, %get3A_68] {strides = array<i32>} : memref<3328x16xf32, #tpu.memory_space<vmem>>, vector<1x16xf32>,
      %get3A_70 = vector.shape_cast %get3A_69 : vector<1x16xf32> to vector<16xf32>
      %swap3A_71 = arith.constant 0 : i32
      %swap3A_72 = arith.index_cast %swap3A_71 : i32 to index
      %swap3A_73 = arith.index_cast %scan3A_40 : i32 to index
      %swap3A_74 = arith.constant 32 : index
      %swap3A_75 = tpu.vector_load %arg10[%swap3A_72, %swap3A_73, %swap3A_74] {strides = array<i32>} : memref<4x128x128xf32, #tpu.memory_space<vmem>>, vector<1x1x16xf32>,
      %swap3A_76 = vector.shape_cast %swap3A_75 : vector<1x1x16xf32> to vector<16xf32>
      %swap3A_77 = vector.shape_cast %get3A_70 : vector<16xf32> to vector<1x1x16xf32>
      tpu.vector_store %arg10[%swap3A_72, %swap3A_73, %swap3A_74], %swap3A_77 {strides = array<i32>} : memref<4x128x128xf32, #tpu.memory_space<vmem>>, vector<1x1x16xf32>,
      %add3A_78 = arith.constant 384 : i32
      %add3A_79 = arith.addi %add3A_78, %scan3A_40 : i32
      %get3A_80 = arith.index_cast %add3A_79 : i32 to index
      %get3A_81 = arith.constant 0 : index
      %get3A_82 = tpu.vector_load %arg9[%get3A_80, %get3A_81] {strides = array<i32>} : memref<3328x16xf32, #tpu.memory_space<vmem>>, vector<1x16xf32>,
      %get3A_83 = vector.shape_cast %get3A_82 : vector<1x16xf32> to vector<16xf32>
      %swap3A_84 = arith.constant 0 : i32
      %swap3A_85 = arith.index_cast %swap3A_84 : i32 to index
      %swap3A_86 = arith.index_cast %scan3A_40 : i32 to index
      %swap3A_87 = arith.constant 48 : index
      %swap3A_88 = tpu.vector_load %arg10[%swap3A_85, %swap3A_86, %swap3A_87] {strides = array<i32>} : memref<4x128x128xf32, #tpu.memory_space<vmem>>, vector<1x1x16xf32>,
      %swap3A_89 = vector.shape_cast %swap3A_88 : vector<1x1x16xf32> to vector<16xf32>
      %swap3A_90 = vector.shape_cast %get3A_83 : vector<16xf32> to vector<1x1x16xf32>
      tpu.vector_store %arg10[%swap3A_85, %swap3A_86, %swap3A_87], %swap3A_90 {strides = array<i32>} : memref<4x128x128xf32, #tpu.memory_space<vmem>>, vector<1x1x16xf32>,
      %add3A_91 = arith.constant 512 : i32
      %add3A_92 = arith.addi %add3A_91, %scan3A_40 : i32
      %get3A_93 = arith.index_cast %add3A_92 : i32 to index
      %get3A_94 = arith.constant 0 : index
      %get3A_95 = tpu.vector_load %arg9[%get3A_93, %get3A_94] {strides = array<i32>} : memref<3328x16xf32, #tpu.memory_space<vmem>>, vector<1x16xf32>,
      %get3A_96 = vector.shape_cast %get3A_95 : vector<1x16xf32> to vector<16xf32>
      %swap3A_97 = arith.constant 0 : i32
      %swap3A_98 = arith.index_cast %swap3A_97 : i32 to index
      %swap3A_99 = arith.index_cast %scan3A_40 : i32 to index
      %swap3A_100 = arith.constant 64 : index
      %swap3A_101 = tpu.vector_load %arg10[%swap3A_98, %swap3A_99, %swap3A_100] {strides = array<i32>} : memref<4x128x128xf32, #tpu.memory_space<vmem>>, vector<1x1x16xf32>,
      %swap3A_102 = vector.shape_cast %swap3A_101 : vector<1x1x16xf32> to vector<16xf32>
      %swap3A_103 = vector.shape_cast %get3A_96 : vector<16xf32> to vector<1x1x16xf32>
      tpu.vector_store %arg10[%swap3A_98, %swap3A_99, %swap3A_100], %swap3A_103 {strides = array<i32>} : memref<4x128x128xf32, #tpu.memory_space<vmem>>, vector<1x1x16xf32>,
      %add3A_104 = arith.constant 640 : i32
      %add3A_105 = arith.addi %add3A_104, %scan3A_40 : i32
      %get3A_106 = arith.index_cast %add3A_105 : i32 to index
      %get3A_107 = arith.constant 0 : index
      %get3A_108 = tpu.vector_load %arg9[%get3A_106, %get3A_107] {strides = array<i32>} : memref<3328x16xf32, #tpu.memory_space<vmem>>, vector<1x16xf32>,
      %get3A_109 = vector.shape_cast %get3A_108 : vector<1x16xf32> to vector<16xf32>
      %swap3A_110 = arith.constant 0 : i32
      %swap3A_111 = arith.index_cast %swap3A_110 : i32 to index
      %swap3A_112 = arith.index_cast %scan3A_40 : i32 to index
      %swap3A_113 = arith.constant 80 : index
      %swap3A_114 = tpu.vector_load %arg10[%swap3A_111, %swap3A_112, %swap3A_113] {strides = array<i32>} : memref<4x128x128xf32, #tpu.memory_space<vmem>>, vector<1x1x16xf32>,
      %swap3A_115 = vector.shape_cast %swap3A_114 : vector<1x1x16xf32> to vector<16xf32>
      %swap3A_116 = vector.shape_cast %get3A_109 : vector<16xf32> to vector<1x1x16xf32>
      tpu.vector_store %arg10[%swap3A_111, %swap3A_112, %swap3A_113], %swap3A_116 {strides = array<i32>} : memref<4x128x128xf32, #tpu.memory_space<vmem>>, vector<1x1x16xf32>,
      %add3A_117 = arith.constant 768 : i32
      %add3A_118 = arith.addi %add3A_117, %scan3A_40 : i32
      %get3A_119 = arith.index_cast %add3A_118 : i32 to index
      %get3A_120 = arith.constant 0 : index
      %get3A_121 = tpu.vector_load %arg9[%get3A_119, %get3A_120] {strides = array<i32>} : memref<3328x16xf32, #tpu.memory_space<vmem>>, vector<1x16xf32>,
      %get3A_122 = vector.shape_cast %get3A_121 : vector<1x16xf32> to vector<16xf32>
      %swap3A_123 = arith.constant 0 : i32
      %swap3A_124 = arith.index_cast %swap3A_123 : i32 to index
      %swap3A_125 = arith.index_cast %scan3A_40 : i32 to index
      %swap3A_126 = arith.constant 96 : index
      %swap3A_127 = tpu.vector_load %arg10[%swap3A_124, %swap3A_125, %swap3A_126] {strides = array<i32>} : memref<4x128x128xf32, #tpu.memory_space<vmem>>, vector<1x1x16xf32>,
      %swap3A_128 = vector.shape_cast %swap3A_127 : vector<1x1x16xf32> to vector<16xf32>
      %swap3A_129 = vector.shape_cast %get3A_122 : vector<16xf32> to vector<1x1x16xf32>
      tpu.vector_store %arg10[%swap3A_124, %swap3A_125, %swap3A_126], %swap3A_129 {strides = array<i32>} : memref<4x128x128xf32, #tpu.memory_space<vmem>>, vector<1x1x16xf32>,
      %add3A_130 = arith.constant 896 : i32
      %add3A_131 = arith.addi %add3A_130, %scan3A_40 : i32
      %get3A_132 = arith.index_cast %add3A_131 : i32 to index
      %get3A_133 = arith.constant 0 : index
      %get3A_134 = tpu.vector_load %arg9[%get3A_132, %get3A_133] {strides = array<i32>} : memref<3328x16xf32, #tpu.memory_space<vmem>>, vector<1x16xf32>,
      %get3A_135 = vector.shape_cast %get3A_134 : vector<1x16xf32> to vector<16xf32>
      %swap3A_136 = arith.constant 0 : i32
      %swap3A_137 = arith.index_cast %swap3A_136 : i32 to index
      %swap3A_138 = arith.index_cast %scan3A_40 : i32 to index
      %swap3A_139 = arith.constant 112 : index
      %swap3A_140 = tpu.vector_load %arg10[%swap3A_137, %swap3A_138, %swap3A_139] {strides = array<i32>} : memref<4x128x128xf32, #tpu.memory_space<vmem>>, vector<1x1x16xf32>,
      %swap3A_141 = vector.shape_cast %swap3A_140 : vector<1x1x16xf32> to vector<16xf32>
      %swap3A_142 = vector.shape_cast %get3A_135 : vector<16xf32> to vector<1x1x16xf32>
      tpu.vector_store %arg10[%swap3A_137, %swap3A_138, %swap3A_139], %swap3A_142 {strides = array<i32>} : memref<4x128x128xf32, #tpu.memory_space<vmem>>, vector<1x1x16xf32>,
      %add3A_143 = arith.constant 1024 : i32
      %add3A_144 = arith.addi %add3A_143, %scan3A_40 : i32
      %get3A_145 = arith.index_cast %add3A_144 : i32 to index
      %get3A_146 = arith.constant 0 : index
      %get3A_147 = tpu.vector_load %arg9[%get3A_145, %get3A_146] {strides = array<i32>} : memref<3328x16xf32, #tpu.memory_space<vmem>>, vector<1x16xf32>,
      %get3A_148 = vector.shape_cast %get3A_147 : vector<1x16xf32> to vector<16xf32>
      %swap3A_149 = arith.constant 1 : i32
      %swap3A_150 = arith.index_cast %swap3A_149 : i32 to index
      %swap3A_151 = arith.index_cast %scan3A_40 : i32 to index
      %swap3A_152 = arith.constant 0 : index
      %swap3A_153 = tpu.vector_load %arg10[%swap3A_150, %swap3A_151, %swap3A_152] {strides = array<i32>} : memref<4x128x128xf32, #tpu.memory_space<vmem>>, vector<1x1x16xf32>,
      %swap3A_154 = vector.shape_cast %swap3A_153 : vector<1x1x16xf32> to vector<16xf32>
      %swap3A_155 = vector.shape_cast %get3A_148 : vector<16xf32> to vector<1x1x16xf32>
      tpu.vector_store %arg10[%swap3A_150, %swap3A_151, %swap3A_152], %swap3A_155 {strides = array<i32>} : memref<4x128x128xf32, #tpu.memory_space<vmem>>, vector<1x1x16xf32>,
      %add3A_156 = arith.constant 1152 : i32
      %add3A_157 = arith.addi %add3A_156, %scan3A_40 : i32
      %get3A_158 = arith.index_cast %add3A_157 : i32 to index
      %get3A_159 = arith.constant 0 : index
      %get3A_160 = tpu.vector_load %arg9[%get3A_158, %get3A_159] {strides = array<i32>} : memref<3328x16xf32, #tpu.memory_space<vmem>>, vector<1x16xf32>,
      %get3A_161 = vector.shape_cast %get3A_160 : vector<1x16xf32> to vector<16xf32>
      %swap3A_162 = arith.constant 1 : i32
      %swap3A_163 = arith.index_cast %swap3A_162 : i32 to index
      %swap3A_164 = arith.index_cast %scan3A_40 : i32 to index
      %swap3A_165 = arith.constant 16 : index
      %swap3A_166 = tpu.vector_load %arg10[%swap3A_163, %swap3A_164, %swap3A_165] {strides = array<i32>} : memref<4x128x128xf32, #tpu.memory_space<vmem>>, vector<1x1x16xf32>,
      %swap3A_167 = vector.shape_cast %swap3A_166 : vector<1x1x16xf32> to vector<16xf32>
      %swap3A_168 = vector.shape_cast %get3A_161 : vector<16xf32> to vector<1x1x16xf32>
      tpu.vector_store %arg10[%swap3A_163, %swap3A_164, %swap3A_165], %swap3A_168 {strides = array<i32>} : memref<4x128x128xf32, #tpu.memory_space<vmem>>, vector<1x1x16xf32>,
      %add3A_169 = arith.constant 1280 : i32
      %add3A_170 = arith.addi %add3A_169, %scan3A_40 : i32
      %get3A_171 = arith.index_cast %add3A_170 : i32 to index
      %get3A_172 = arith.constant 0 : index
      %get3A_173 = tpu.vector_load %arg9[%get3A_171, %get3A_172] {strides = array<i32>} : memref<3328x16xf32, #tpu.memory_space<vmem>>, vector<1x16xf32>,
      %get3A_174 = vector.shape_cast %get3A_173 : vector<1x16xf32> to vector<16xf32>
      %swap3A_175 = arith.constant 1 : i32
      %swap3A_176 = arith.index_cast %swap3A_175 : i32 to index
      %swap3A_177 = arith.index_cast %scan3A_40 : i32 to index
      %swap3A_178 = arith.constant 32 : index
      %swap3A_179 = tpu.vector_load %arg10[%swap3A_176, %swap3A_177, %swap3A_178] {strides = array<i32>} : memref<4x128x128xf32, #tpu.memory_space<vmem>>, vector<1x1x16xf32>,
      %swap3A_180 = vector.shape_cast %swap3A_179 : vector<1x1x16xf32> to vector<16xf32>
      %swap3A_181 = vector.shape_cast %get3A_174 : vector<16xf32> to vector<1x1x16xf32>
      tpu.vector_store %arg10[%swap3A_176, %swap3A_177, %swap3A_178], %swap3A_181 {strides = array<i32>} : memref<4x128x128xf32, #tpu.memory_space<vmem>>, vector<1x1x16xf32>,
      %add3A_182 = arith.constant 1408 : i32
      %add3A_183 = arith.addi %add3A_182, %scan3A_40 : i32
      %get3A_184 = arith.index_cast %add3A_183 : i32 to index
      %get3A_185 = arith.constant 0 : index
      %get3A_186 = tpu.vector_load %arg9[%get3A_184, %get3A_185] {strides = array<i32>} : memref<3328x16xf32, #tpu.memory_space<vmem>>, vector<1x16xf32>,
      %get3A_187 = vector.shape_cast %get3A_186 : vector<1x16xf32> to vector<16xf32>
      %swap3A_188 = arith.constant 1 : i32
      %swap3A_189 = arith.index_cast %swap3A_188 : i32 to index
      %swap3A_190 = arith.index_cast %scan3A_40 : i32 to index
      %swap3A_191 = arith.constant 48 : index
      %swap3A_192 = tpu.vector_load %arg10[%swap3A_189, %swap3A_190, %swap3A_191] {strides = array<i32>} : memref<4x128x128xf32, #tpu.memory_space<vmem>>, vector<1x1x16xf32>,
      %swap3A_193 = vector.shape_cast %swap3A_192 : vector<1x1x16xf32> to vector<16xf32>
      %swap3A_194 = vector.shape_cast %get3A_187 : vector<16xf32> to vector<1x1x16xf32>
      tpu.vector_store %arg10[%swap3A_189, %swap3A_190, %swap3A_191], %swap3A_194 {strides = array<i32>} : memref<4x128x128xf32, #tpu.memory_space<vmem>>, vector<1x1x16xf32>,
      %add3A_195 = arith.constant 1536 : i32
      %add3A_196 = arith.addi %add3A_195, %scan3A_40 : i32
      %get3A_197 = arith.index_cast %add3A_196 : i32 to index
      %get3A_198 = arith.constant 0 : index
      %get3A_199 = tpu.vector_load %arg9[%get3A_197, %get3A_198] {strides = array<i32>} : memref<3328x16xf32, #tpu.memory_space<vmem>>, vector<1x16xf32>,
      %get3A_200 = vector.shape_cast %get3A_199 : vector<1x16xf32> to vector<16xf32>
      %swap3A_201 = arith.constant 1 : i32
      %swap3A_202 = arith.index_cast %swap3A_201 : i32 to index
      %swap3A_203 = arith.index_cast %scan3A_40 : i32 to index
      %swap3A_204 = arith.constant 64 : index
      %swap3A_205 = tpu.vector_load %arg10[%swap3A_202, %swap3A_203, %swap3A_204] {strides = array<i32>} : memref<4x128x128xf32, #tpu.memory_space<vmem>>, vector<1x1x16xf32>,
      %swap3A_206 = vector.shape_cast %swap3A_205 : vector<1x1x16xf32> to vector<16xf32>
      %swap3A_207 = vector.shape_cast %get3A_200 : vector<16xf32> to vector<1x1x16xf32>
      tpu.vector_store %arg10[%swap3A_202, %swap3A_203, %swap3A_204], %swap3A_207 {strides = array<i32>} : memref<4x128x128xf32, #tpu.memory_space<vmem>>, vector<1x1x16xf32>,
      %add3A_208 = arith.constant 1664 : i32
      %add3A_209 = arith.addi %add3A_208, %scan3A_40 : i32
      %get3A_210 = arith.index_cast %add3A_209 : i32 to index
      %get3A_211 = arith.constant 0 : index
      %get3A_212 = tpu.vector_load %arg9[%get3A_210, %get3A_211] {strides = array<i32>} : memref<3328x16xf32, #tpu.memory_space<vmem>>, vector<1x16xf32>,
      %get3A_213 = vector.shape_cast %get3A_212 : vector<1x16xf32> to vector<16xf32>
      %swap3A_214 = arith.constant 1 : i32
      %swap3A_215 = arith.index_cast %swap3A_214 : i32 to index
      %swap3A_216 = arith.index_cast %scan3A_40 : i32 to index
      %swap3A_217 = arith.constant 80 : index
      %swap3A_218 = tpu.vector_load %arg10[%swap3A_215, %swap3A_216, %swap3A_217] {strides = array<i32>} : memref<4x128x128xf32, #tpu.memory_space<vmem>>, vector<1x1x16xf32>,
      %swap3A_219 = vector.shape_cast %swap3A_218 : vector<1x1x16xf32> to vector<16xf32>
      %swap3A_220 = vector.shape_cast %get3A_213 : vector<16xf32> to vector<1x1x16xf32>
      tpu.vector_store %arg10[%swap3A_215, %swap3A_216, %swap3A_217], %swap3A_220 {strides = array<i32>} : memref<4x128x128xf32, #tpu.memory_space<vmem>>, vector<1x1x16xf32>,
      %add3A_221 = arith.constant 1792 : i32
      %add3A_222 = arith.addi %add3A_221, %scan3A_40 : i32
      %get3A_223 = arith.index_cast %add3A_222 : i32 to index
      %get3A_224 = arith.constant 0 : index
      %get3A_225 = tpu.vector_load %arg9[%get3A_223, %get3A_224] {strides = array<i32>} : memref<3328x16xf32, #tpu.memory_space<vmem>>, vector<1x16xf32>,
      %get3A_226 = vector.shape_cast %get3A_225 : vector<1x16xf32> to vector<16xf32>
      %swap3A_227 = arith.constant 1 : i32
      %swap3A_228 = arith.index_cast %swap3A_227 : i32 to index
      %swap3A_229 = arith.index_cast %scan3A_40 : i32 to index
      %swap3A_230 = arith.constant 96 : index
      %swap3A_231 = tpu.vector_load %arg10[%swap3A_228, %swap3A_229, %swap3A_230] {strides = array<i32>} : memref<4x128x128xf32, #tpu.memory_space<vmem>>, vector<1x1x16xf32>,
      %swap3A_232 = vector.shape_cast %swap3A_231 : vector<1x1x16xf32> to vector<16xf32>
      %swap3A_233 = vector.shape_cast %get3A_226 : vector<16xf32> to vector<1x1x16xf32>
      tpu.vector_store %arg10[%swap3A_228, %swap3A_229, %swap3A_230], %swap3A_233 {strides = array<i32>} : memref<4x128x128xf32, #tpu.memory_space<vmem>>, vector<1x1x16xf32>,
      %add3A_234 = arith.constant 1920 : i32
      %add3A_235 = arith.addi %add3A_234, %scan3A_40 : i32
      %get3A_236 = arith.index_cast %add3A_235 : i32 to index
      %get3A_237 = arith.constant 0 : index
      %get3A_238 = tpu.vector_load %arg9[%get3A_236, %get3A_237] {strides = array<i32>} : memref<3328x16xf32, #tpu.memory_space<vmem>>, vector<1x16xf32>,
      %get3A_239 = vector.shape_cast %get3A_238 : vector<1x16xf32> to vector<16xf32>
      %swap3A_240 = arith.constant 1 : i32
      %swap3A_241 = arith.index_cast %swap3A_240 : i32 to index
      %swap3A_242 = arith.index_cast %scan3A_40 : i32 to index
      %swap3A_243 = arith.constant 112 : index
      %swap3A_244 = tpu.vector_load %arg10[%swap3A_241, %swap3A_242, %swap3A_243] {strides = array<i32>} : memref<4x128x128xf32, #tpu.memory_space<vmem>>, vector<1x1x16xf32>,
      %swap3A_245 = vector.shape_cast %swap3A_244 : vector<1x1x16xf32> to vector<16xf32>
      %swap3A_246 = vector.shape_cast %get3A_239 : vector<16xf32> to vector<1x1x16xf32>
      tpu.vector_store %arg10[%swap3A_241, %swap3A_242, %swap3A_243], %swap3A_246 {strides = array<i32>} : memref<4x128x128xf32, #tpu.memory_space<vmem>>, vector<1x1x16xf32>,
      %add3A_247 = arith.constant 2048 : i32
      %add3A_248 = arith.addi %add3A_247, %scan3A_40 : i32
      %get3A_249 = arith.index_cast %add3A_248 : i32 to index
      %get3A_250 = arith.constant 0 : index
      %get3A_251 = tpu.vector_load %arg9[%get3A_249, %get3A_250] {strides = array<i32>} : memref<3328x16xf32, #tpu.memory_space<vmem>>, vector<1x16xf32>,
      %get3A_252 = vector.shape_cast %get3A_251 : vector<1x16xf32> to vector<16xf32>
      %swap3A_253 = arith.constant 2 : i32
      %swap3A_254 = arith.index_cast %swap3A_253 : i32 to index
      %swap3A_255 = arith.index_cast %scan3A_40 : i32 to index
      %swap3A_256 = arith.constant 0 : index
      %swap3A_257 = tpu.vector_load %arg10[%swap3A_254, %swap3A_255, %swap3A_256] {strides = array<i32>} : memref<4x128x128xf32, #tpu.memory_space<vmem>>, vector<1x1x16xf32>,
      %swap3A_258 = vector.shape_cast %swap3A_257 : vector<1x1x16xf32> to vector<16xf32>
      %swap3A_259 = vector.shape_cast %get3A_252 : vector<16xf32> to vector<1x1x16xf32>
      tpu.vector_store %arg10[%swap3A_254, %swap3A_255, %swap3A_256], %swap3A_259 {strides = array<i32>} : memref<4x128x128xf32, #tpu.memory_space<vmem>>, vector<1x1x16xf32>,
      %add3A_260 = arith.constant 2176 : i32
      %add3A_261 = arith.addi %add3A_260, %scan3A_40 : i32
      %get3A_262 = arith.index_cast %add3A_261 : i32 to index
      %get3A_263 = arith.constant 0 : index
      %get3A_264 = tpu.vector_load %arg9[%get3A_262, %get3A_263] {strides = array<i32>} : memref<3328x16xf32, #tpu.memory_space<vmem>>, vector<1x16xf32>,
      %get3A_265 = vector.shape_cast %get3A_264 : vector<1x16xf32> to vector<16xf32>
      %swap3A_266 = arith.constant 2 : i32
      %swap3A_267 = arith.index_cast %swap3A_266 : i32 to index
      %swap3A_268 = arith.index_cast %scan3A_40 : i32 to index
      %swap3A_269 = arith.constant 16 : index
      %swap3A_270 = tpu.vector_load %arg10[%swap3A_267, %swap3A_268, %swap3A_269] {strides = array<i32>} : memref<4x128x128xf32, #tpu.memory_space<vmem>>, vector<1x1x16xf32>,
      %swap3A_271 = vector.shape_cast %swap3A_270 : vector<1x1x16xf32> to vector<16xf32>
      %swap3A_272 = vector.shape_cast %get3A_265 : vector<16xf32> to vector<1x1x16xf32>
      tpu.vector_store %arg10[%swap3A_267, %swap3A_268, %swap3A_269], %swap3A_272 {strides = array<i32>} : memref<4x128x128xf32, #tpu.memory_space<vmem>>, vector<1x1x16xf32>,
      %add3A_273 = arith.constant 2304 : i32
      %add3A_274 = arith.addi %add3A_273, %scan3A_40 : i32
      %get3A_275 = arith.index_cast %add3A_274 : i32 to index
      %get3A_276 = arith.constant 0 : index
      %get3A_277 = tpu.vector_load %arg9[%get3A_275, %get3A_276] {strides = array<i32>} : memref<3328x16xf32, #tpu.memory_space<vmem>>, vector<1x16xf32>,
      %get3A_278 = vector.shape_cast %get3A_277 : vector<1x16xf32> to vector<16xf32>
      %swap3A_279 = arith.constant 2 : i32
      %swap3A_280 = arith.index_cast %swap3A_279 : i32 to index
      %swap3A_281 = arith.index_cast %scan3A_40 : i32 to index
      %swap3A_282 = arith.constant 32 : index
      %swap3A_283 = tpu.vector_load %arg10[%swap3A_280, %swap3A_281, %swap3A_282] {strides = array<i32>} : memref<4x128x128xf32, #tpu.memory_space<vmem>>, vector<1x1x16xf32>,
      %swap3A_284 = vector.shape_cast %swap3A_283 : vector<1x1x16xf32> to vector<16xf32>
      %swap3A_285 = vector.shape_cast %get3A_278 : vector<16xf32> to vector<1x1x16xf32>
      tpu.vector_store %arg10[%swap3A_280, %swap3A_281, %swap3A_282], %swap3A_285 {strides = array<i32>} : memref<4x128x128xf32, #tpu.memory_space<vmem>>, vector<1x1x16xf32>,
      %add3A_286 = arith.constant 2432 : i32
      %add3A_287 = arith.addi %add3A_286, %scan3A_40 : i32
      %get3A_288 = arith.index_cast %add3A_287 : i32 to index
      %get3A_289 = arith.constant 0 : index
      %get3A_290 = tpu.vector_load %arg9[%get3A_288, %get3A_289] {strides = array<i32>} : memref<3328x16xf32, #tpu.memory_space<vmem>>, vector<1x16xf32>,
      %get3A_291 = vector.shape_cast %get3A_290 : vector<1x16xf32> to vector<16xf32>
      %swap3A_292 = arith.constant 2 : i32
      %swap3A_293 = arith.index_cast %swap3A_292 : i32 to index
      %swap3A_294 = arith.index_cast %scan3A_40 : i32 to index
      %swap3A_295 = arith.constant 48 : index
      %swap3A_296 = tpu.vector_load %arg10[%swap3A_293, %swap3A_294, %swap3A_295] {strides = array<i32>} : memref<4x128x128xf32, #tpu.memory_space<vmem>>, vector<1x1x16xf32>,
      %swap3A_297 = vector.shape_cast %swap3A_296 : vector<1x1x16xf32> to vector<16xf32>
      %swap3A_298 = vector.shape_cast %get3A_291 : vector<16xf32> to vector<1x1x16xf32>
      tpu.vector_store %arg10[%swap3A_293, %swap3A_294, %swap3A_295], %swap3A_298 {strides = array<i32>} : memref<4x128x128xf32, #tpu.memory_space<vmem>>, vector<1x1x16xf32>,
      %add3A_299 = arith.constant 2560 : i32
      %add3A_300 = arith.addi %add3A_299, %scan3A_40 : i32
      %get3A_301 = arith.index_cast %add3A_300 : i32 to index
      %get3A_302 = arith.constant 0 : index
      %get3A_303 = tpu.vector_load %arg9[%get3A_301, %get3A_302] {strides = array<i32>} : memref<3328x16xf32, #tpu.memory_space<vmem>>, vector<1x16xf32>,
      %get3A_304 = vector.shape_cast %get3A_303 : vector<1x16xf32> to vector<16xf32>
      %swap3A_305 = arith.constant 2 : i32
      %swap3A_306 = arith.index_cast %swap3A_305 : i32 to index
      %swap3A_307 = arith.index_cast %scan3A_40 : i32 to index
      %swap3A_308 = arith.constant 64 : index
      %swap3A_309 = tpu.vector_load %arg10[%swap3A_306, %swap3A_307, %swap3A_308] {strides = array<i32>} : memref<4x128x128xf32, #tpu.memory_space<vmem>>, vector<1x1x16xf32>,
      %swap3A_310 = vector.shape_cast %swap3A_309 : vector<1x1x16xf32> to vector<16xf32>
      %swap3A_311 = vector.shape_cast %get3A_304 : vector<16xf32> to vector<1x1x16xf32>
      tpu.vector_store %arg10[%swap3A_306, %swap3A_307, %swap3A_308], %swap3A_311 {strides = array<i32>} : memref<4x128x128xf32, #tpu.memory_space<vmem>>, vector<1x1x16xf32>,
      %add3A_312 = arith.constant 2688 : i32
      %add3A_313 = arith.addi %add3A_312, %scan3A_40 : i32
      %get3A_314 = arith.index_cast %add3A_313 : i32 to index
      %get3A_315 = arith.constant 0 : index
      %get3A_316 = tpu.vector_load %arg9[%get3A_314, %get3A_315] {strides = array<i32>} : memref<3328x16xf32, #tpu.memory_space<vmem>>, vector<1x16xf32>,
      %get3A_317 = vector.shape_cast %get3A_316 : vector<1x16xf32> to vector<16xf32>
      %swap3A_318 = arith.constant 2 : i32
      %swap3A_319 = arith.index_cast %swap3A_318 : i32 to index
      %swap3A_320 = arith.index_cast %scan3A_40 : i32 to index
      %swap3A_321 = arith.constant 80 : index
      %swap3A_322 = tpu.vector_load %arg10[%swap3A_319, %swap3A_320, %swap3A_321] {strides = array<i32>} : memref<4x128x128xf32, #tpu.memory_space<vmem>>, vector<1x1x16xf32>,
      %swap3A_323 = vector.shape_cast %swap3A_322 : vector<1x1x16xf32> to vector<16xf32>
      %swap3A_324 = vector.shape_cast %get3A_317 : vector<16xf32> to vector<1x1x16xf32>
      tpu.vector_store %arg10[%swap3A_319, %swap3A_320, %swap3A_321], %swap3A_324 {strides = array<i32>} : memref<4x128x128xf32, #tpu.memory_space<vmem>>, vector<1x1x16xf32>,
      %add3A_325 = arith.constant 2816 : i32
      %add3A_326 = arith.addi %add3A_325, %scan3A_40 : i32
      %get3A_327 = arith.index_cast %add3A_326 : i32 to index
      %get3A_328 = arith.constant 0 : index
      %get3A_329 = tpu.vector_load %arg9[%get3A_327, %get3A_328] {strides = array<i32>} : memref<3328x16xf32, #tpu.memory_space<vmem>>, vector<1x16xf32>,
      %get3A_330 = vector.shape_cast %get3A_329 : vector<1x16xf32> to vector<16xf32>
      %swap3A_331 = arith.constant 2 : i32
      %swap3A_332 = arith.index_cast %swap3A_331 : i32 to index
      %swap3A_333 = arith.index_cast %scan3A_40 : i32 to index
      %swap3A_334 = arith.constant 96 : index
      %swap3A_335 = tpu.vector_load %arg10[%swap3A_332, %swap3A_333, %swap3A_334] {strides = array<i32>} : memref<4x128x128xf32, #tpu.memory_space<vmem>>, vector<1x1x16xf32>,
      %swap3A_336 = vector.shape_cast %swap3A_335 : vector<1x1x16xf32> to vector<16xf32>
      %swap3A_337 = vector.shape_cast %get3A_330 : vector<16xf32> to vector<1x1x16xf32>
      tpu.vector_store %arg10[%swap3A_332, %swap3A_333, %swap3A_334], %swap3A_337 {strides = array<i32>} : memref<4x128x128xf32, #tpu.memory_space<vmem>>, vector<1x1x16xf32>,
      %add3A_338 = arith.constant 2944 : i32
      %add3A_339 = arith.addi %add3A_338, %scan3A_40 : i32
      %get3A_340 = arith.index_cast %add3A_339 : i32 to index
      %get3A_341 = arith.constant 0 : index
      %get3A_342 = tpu.vector_load %arg9[%get3A_340, %get3A_341] {strides = array<i32>} : memref<3328x16xf32, #tpu.memory_space<vmem>>, vector<1x16xf32>,
      %get3A_343 = vector.shape_cast %get3A_342 : vector<1x16xf32> to vector<16xf32>
      %swap3A_344 = arith.constant 2 : i32
      %swap3A_345 = arith.index_cast %swap3A_344 : i32 to index
      %swap3A_346 = arith.index_cast %scan3A_40 : i32 to index
      %swap3A_347 = arith.constant 112 : index
      %swap3A_348 = tpu.vector_load %arg10[%swap3A_345, %swap3A_346, %swap3A_347] {strides = array<i32>} : memref<4x128x128xf32, #tpu.memory_space<vmem>>, vector<1x1x16xf32>,
      %swap3A_349 = vector.shape_cast %swap3A_348 : vector<1x1x16xf32> to vector<16xf32>
      %swap3A_350 = vector.shape_cast %get3A_343 : vector<16xf32> to vector<1x1x16xf32>
      tpu.vector_store %arg10[%swap3A_345, %swap3A_346, %swap3A_347], %swap3A_350 {strides = array<i32>} : memref<4x128x128xf32, #tpu.memory_space<vmem>>, vector<1x1x16xf32>,
      %add3A_351 = arith.constant 3072 : i32
      %add3A_352 = arith.addi %add3A_351, %scan3A_40 : i32
      %get3A_353 = arith.index_cast %add3A_352 : i32 to index
      %get3A_354 = arith.constant 0 : index
      %get3A_355 = tpu.vector_load %arg9[%get3A_353, %get3A_354] {strides = array<i32>} : memref<3328x16xf32, #tpu.memory_space<vmem>>, vector<1x16xf32>,
      %get3A_356 = vector.shape_cast %get3A_355 : vector<1x16xf32> to vector<16xf32>
      %swap3A_357 = arith.constant 3 : i32
      %swap3A_358 = arith.index_cast %swap3A_357 : i32 to index
      %swap3A_359 = arith.index_cast %scan3A_40 : i32 to index
      %swap3A_360 = arith.constant 0 : index
      %swap3A_361 = tpu.vector_load %arg10[%swap3A_358, %swap3A_359, %swap3A_360] {strides = array<i32>} : memref<4x128x128xf32, #tpu.memory_space<vmem>>, vector<1x1x16xf32>,
      %swap3A_362 = vector.shape_cast %swap3A_361 : vector<1x1x16xf32> to vector<16xf32>
      %swap3A_363 = vector.shape_cast %get3A_356 : vector<16xf32> to vector<1x1x16xf32>
      tpu.vector_store %arg10[%swap3A_358, %swap3A_359, %swap3A_360], %swap3A_363 {strides = array<i32>} : memref<4x128x128xf32, #tpu.memory_space<vmem>>, vector<1x1x16xf32>,
      %add3A_364 = arith.constant 3200 : i32
      %add3A_365 = arith.addi %add3A_364, %scan3A_40 : i32
      %get3A_366 = arith.index_cast %add3A_365 : i32 to index
      %get3A_367 = arith.constant 0 : index
      %get3A_368 = tpu.vector_load %arg9[%get3A_366, %get3A_367] {strides = array<i32>} : memref<3328x16xf32, #tpu.memory_space<vmem>>, vector<1x16xf32>,
      %get3A_369 = vector.shape_cast %get3A_368 : vector<1x16xf32> to vector<16xf32>
      %swap3A_370 = arith.constant 3 : i32
      %swap3A_371 = arith.index_cast %swap3A_370 : i32 to index
      %swap3A_372 = arith.index_cast %scan3A_40 : i32 to index
      %swap3A_373 = arith.constant 16 : index
      %swap3A_374 = tpu.vector_load %arg10[%swap3A_371, %swap3A_372, %swap3A_373] {strides = array<i32>} : memref<4x128x128xf32, #tpu.memory_space<vmem>>, vector<1x1x16xf32>,
      %swap3A_375 = vector.shape_cast %swap3A_374 : vector<1x1x16xf32> to vector<16xf32>
      %swap3A_376 = vector.shape_cast %get3A_369 : vector<16xf32> to vector<1x1x16xf32>
      tpu.vector_store %arg10[%swap3A_371, %swap3A_372, %swap3A_373], %swap3A_376 {strides = array<i32>} : memref<4x128x128xf32, #tpu.memory_space<vmem>>, vector<1x1x16xf32>,
    }
    %scan3A_17 = arith.constant 128 : i32
    %mul3A_18 = arith.constant 128 : i32
    %mul3A_19 = arith.muli %add3A, %mul3A_18 : i32
    "tpu.region"() ({
      %run_scoped3A = tpu.sem_alloc : memref<!tpu.dma_semaphore, #tpu.memory_space<semaphore_mem>>
      %dma_start3A = arith.constant 0 : i32
      %dma_start3A_40 = arith.constant 0 : i32
      %dma_start3A_41 = tpu.memref_slice %arg6[%dma_start3A, %mul3A_19, %dma_start3A_40] : memref<4x4096x128xf32, #tpu.memory_space<hbm>> -> memref<4x128x128xf32, #tpu.memory_space<hbm>>
      %dma_start3A_42 = arith.constant 0 : i32
      %dma_start3A_43 = arith.constant 0 : i32
      %dma_start3A_44 = tpu.memref_slice %arg6[%dma_start3A_42, %mul3A_19, %dma_start3A_43] : memref<4x4096x128xf32, #tpu.memory_space<hbm>> -> memref<4x128x128xf32, #tpu.memory_space<hbm>>
      tpu.enqueue_dma source(%arg10 : memref<4x128x128xf32, #tpu.memory_space<vmem>>) target(%dma_start3A_44 : memref<4x128x128xf32, #tpu.memory_space<hbm>>) target_semaphore(%run_scoped3A : memref<!tpu.dma_semaphore, #tpu.memory_space<semaphore_mem>>)
      %dma_wait3A = arith.constant 0 : i32
      %dma_wait3A_45 = arith.constant 0 : i32
      %dma_wait3A_46 = tpu.memref_slice %arg6[%dma_wait3A, %mul3A_19, %dma_wait3A_45] : memref<4x4096x128xf32, #tpu.memory_space<hbm>> -> memref<4x128x128xf32, #tpu.memory_space<hbm>>
      %dma_wait3A_47 = arith.constant 0 : i32
      %dma_wait3A_48 = arith.constant 0 : i32
      %dma_wait3A_49 = tpu.memref_slice %arg6[%dma_wait3A_47, %mul3A_19, %dma_wait3A_48] : memref<4x4096x128xf32, #tpu.memory_space<hbm>> -> memref<4x128x128xf32, #tpu.memory_space<hbm>>
      tpu.wait_dma2 semaphore(%run_scoped3A : memref<!tpu.dma_semaphore, #tpu.memory_space<semaphore_mem>>) src(%arg10 : memref<4x128x128xf32, #tpu.memory_space<vmem>>) dst(%dma_wait3A_49 : memref<4x128x128xf32, #tpu.memory_space<hbm>>)
      tpu.yield
    }) : () -> ()
    "tpu.region"() ({
      %run_scoped3A = tpu.sem_alloc : memref<!tpu.dma_semaphore, #tpu.memory_space<semaphore_mem>>
      %dma_start3A = arith.constant 0 : i32
      %dma_start3A_40 = arith.constant 0 : i32
      %dma_start3A_41 = tpu.memref_slice %arg3[%add3A, %dma_start3A, %dma_start3A_40] : memref<32x26x128xi32, #tpu.memory_space<hbm>> -> memref<1x26x128xi32, #tpu.memory_space<hbm>>
      %dma_start3A_42 = tpu.memref_squeeze %dma_start3A_41 : memref<1x26x128xi32, #tpu.memory_space<hbm>> -> memref<26x128xi32, #tpu.memory_space<hbm>>
      %dma_start3A_43 = arith.constant 0 : i32
      %dma_start3A_44 = arith.constant 0 : i32
      %dma_start3A_45 = tpu.memref_slice %arg3[%add3A, %dma_start3A_43, %dma_start3A_44] : memref<32x26x128xi32, #tpu.memory_space<hbm>> -> memref<1x26x128xi32, #tpu.memory_space<hbm>>
      %dma_start3A_46 = tpu.memref_squeeze %dma_start3A_45 : memref<1x26x128xi32, #tpu.memory_space<hbm>> -> memref<26x128xi32, #tpu.memory_space<hbm>>
      tpu.enqueue_dma source(%dma_start3A_46 : memref<26x128xi32, #tpu.memory_space<hbm>>) target(%arg8 : memref<26x128xi32, #tpu.memory_space<vmem>>) target_semaphore(%run_scoped3A : memref<!tpu.dma_semaphore, #tpu.memory_space<semaphore_mem>>)
      %dma_wait3A = arith.constant 0 : i32
      %dma_wait3A_47 = arith.constant 0 : i32
      %dma_wait3A_48 = tpu.memref_slice %arg3[%add3A, %dma_wait3A, %dma_wait3A_47] : memref<32x26x128xi32, #tpu.memory_space<hbm>> -> memref<1x26x128xi32, #tpu.memory_space<hbm>>
      %dma_wait3A_49 = tpu.memref_squeeze %dma_wait3A_48 : memref<1x26x128xi32, #tpu.memory_space<hbm>> -> memref<26x128xi32, #tpu.memory_space<hbm>>
      %dma_wait3A_50 = arith.constant 0 : i32
      %dma_wait3A_51 = arith.constant 0 : i32
      %dma_wait3A_52 = tpu.memref_slice %arg3[%add3A, %dma_wait3A_50, %dma_wait3A_51] : memref<32x26x128xi32, #tpu.memory_space<hbm>> -> memref<1x26x128xi32, #tpu.memory_space<hbm>>
      %dma_wait3A_53 = tpu.memref_squeeze %dma_wait3A_52 : memref<1x26x128xi32, #tpu.memory_space<hbm>> -> memref<26x128xi32, #tpu.memory_space<hbm>>
      tpu.wait_dma2 semaphore(%run_scoped3A : memref<!tpu.dma_semaphore, #tpu.memory_space<semaphore_mem>>) src(%dma_wait3A_53 : memref<26x128xi32, #tpu.memory_space<hbm>>) dst(%arg8 : memref<26x128xi32, #tpu.memory_space<vmem>>)
      tpu.yield
    }) : () -> ()
    %scan3A_20 = arith.constant 0 : i32
    %scan3A_21 = arith.constant 0 : i32
    %scan3A_22 = arith.constant 26 : i32
    %scan3A_23 = arith.addi %scan3A_21, %scan3A_22 : i32
    %scan3A_24 = arith.constant 1 : i32
    scf.for %scan3A_40 = %scan3A_21 to %scan3A_23 step %scan3A_24  : i32 {
      %mul3A_41 = arith.constant 128 : i32
      %mul3A_42 = arith.muli %scan3A_40, %mul3A_41 : i32
      %dma_start3A = arith.constant 0 : i32
      %dma_start3A_43 = tpu.memref_slice %arg9[%mul3A_42, %dma_start3A] : memref<3328x16xf32, #tpu.memory_space<vmem>> -> memref<128x16xf32, #tpu.memory_space<vmem>>
      %dma_start3A_44 = arith.constant 0 : i32
      %dma_start3A_45 = tpu.memref_slice %arg8[%scan3A_40, %dma_start3A_44] : memref<26x128xi32, #tpu.memory_space<vmem>> -> memref<1x128xi32, #tpu.memory_space<vmem>>
      %dma_start3A_46 = tpu.memref_squeeze %dma_start3A_45 : memref<1x128xi32, #tpu.memory_space<vmem>> -> memref<128xi32, #tpu.memory_space<vmem>>
      %dma_start3A_47 = arith.constant 0 : i32
      %dma_start3A_48 = arith.constant 0 : i32
      %dma_start3A_49 = tpu.memref_slice %arg5[%dma_start3A_47, %dma_start3A_48] : memref<162500x16xf32, #tpu.memory_space<hbm>> -> memref<162500x16xf32, #tpu.memory_space<hbm>>
      tpu.enqueue_indirect_dma source(%dma_start3A_49 : memref<162500x16xf32, #tpu.memory_space<hbm>>) target(%dma_start3A_43 : memref<128x16xf32, #tpu.memory_space<vmem>>) offsets(%dma_start3A_46 : memref<128xi32, #tpu.memory_space<vmem>>) semaphore(%arg11 : memref<!tpu.dma_semaphore, #tpu.memory_space<semaphore_mem>>)
    }
    %scan3A_25 = arith.constant 26 : i32
    %scan3A_26 = arith.constant 0 : i32
    %scan3A_27 = arith.constant 0 : i32
    %scan3A_28 = arith.constant 26 : i32
    %scan3A_29 = arith.addi %scan3A_27, %scan3A_28 : i32
    %scan3A_30 = arith.constant 1 : i32
    scf.for %scan3A_40 = %scan3A_27 to %scan3A_29 step %scan3A_30  : i32 {
      %dma_wait3A = arith.constant 0 : i32
      %dma_wait3A_41 = arith.constant 0 : i32
      %dma_wait3A_42 = tpu.memref_slice %arg9[%dma_wait3A, %dma_wait3A_41] : memref<3328x16xf32, #tpu.memory_space<vmem>> -> memref<128x16xf32, #tpu.memory_space<vmem>>
      %dma_wait3A_43 = arith.constant 0 : i32
      %dma_wait3A_44 = arith.constant 0 : i32
      %dma_wait3A_45 = tpu.memref_slice %arg5[%dma_wait3A_43, %dma_wait3A_44] : memref<162500x16xf32, #tpu.memory_space<hbm>> -> memref<128x16xf32, #tpu.memory_space<hbm>>
      %dma_wait3A_46 = arith.constant 0 : i32
      %dma_wait3A_47 = arith.constant 0 : i32
      %dma_wait3A_48 = tpu.memref_slice %arg9[%dma_wait3A_46, %dma_wait3A_47] : memref<3328x16xf32, #tpu.memory_space<vmem>> -> memref<128x16xf32, #tpu.memory_space<vmem>>
      %dma_wait3A_49 = arith.constant 0 : i32
      %dma_wait3A_50 = arith.constant 0 : i32
      %dma_wait3A_51 = tpu.memref_slice %arg5[%dma_wait3A_49, %dma_wait3A_50] : memref<162500x16xf32, #tpu.memory_space<hbm>> -> memref<128x16xf32, #tpu.memory_space<hbm>>
      tpu.wait_dma2 semaphore(%arg11 : memref<!tpu.dma_semaphore, #tpu.memory_space<semaphore_mem>>) src(%dma_wait3A_51 : memref<128x16xf32, #tpu.memory_space<hbm>>) dst(%dma_wait3A_48 : memref<128x16xf32, #tpu.memory_space<vmem>>)
    }
    %scan3A_31 = arith.constant 26 : i32
    %scan3A_32 = arith.constant 0 : i32
    %scan3A_33 = arith.constant 0 : i32
    %scan3A_34 = arith.constant 128 : i32
    %scan3A_35 = arith.addi %scan3A_33, %scan3A_34 : i32
    %scan3A_36 = arith.constant 1 : i32
    scf.for %scan3A_40 = %scan3A_33 to %scan3A_35 step %scan3A_36  : i32 {
      %add3A_41 = arith.constant 0 : i32
      %add3A_42 = arith.addi %add3A_41, %scan3A_40 : i32
      %get3A = arith.index_cast %add3A_42 : i32 to index
      %get3A_43 = arith.constant 0 : index
      %get3A_44 = tpu.vector_load %arg9[%get3A, %get3A_43] {strides = array<i32>} : memref<3328x16xf32, #tpu.memory_space<vmem>>, vector<1x16xf32>,
      %get3A_45 = vector.shape_cast %get3A_44 : vector<1x16xf32> to vector<16xf32>
      %swap3A = arith.constant 0 : i32
      %swap3A_46 = arith.index_cast %swap3A : i32 to index
      %swap3A_47 = arith.index_cast %scan3A_40 : i32 to index
      %swap3A_48 = arith.constant 0 : index
      %swap3A_49 = tpu.vector_load %arg10[%swap3A_46, %swap3A_47, %swap3A_48] {strides = array<i32>} : memref<4x128x128xf32, #tpu.memory_space<vmem>>, vector<1x1x16xf32>,
      %swap3A_50 = vector.shape_cast %swap3A_49 : vector<1x1x16xf32> to vector<16xf32>
      %swap3A_51 = vector.shape_cast %get3A_45 : vector<16xf32> to vector<1x1x16xf32>
      tpu.vector_store %arg10[%swap3A_46, %swap3A_47, %swap3A_48], %swap3A_51 {strides = array<i32>} : memref<4x128x128xf32, #tpu.memory_space<vmem>>, vector<1x1x16xf32>,
      %add3A_52 = arith.constant 128 : i32
      %add3A_53 = arith.addi %add3A_52, %scan3A_40 : i32
      %get3A_54 = arith.index_cast %add3A_53 : i32 to index
      %get3A_55 = arith.constant 0 : index
      %get3A_56 = tpu.vector_load %arg9[%get3A_54, %get3A_55] {strides = array<i32>} : memref<3328x16xf32, #tpu.memory_space<vmem>>, vector<1x16xf32>,
      %get3A_57 = vector.shape_cast %get3A_56 : vector<1x16xf32> to vector<16xf32>
      %swap3A_58 = arith.constant 0 : i32
      %swap3A_59 = arith.index_cast %swap3A_58 : i32 to index
      %swap3A_60 = arith.index_cast %scan3A_40 : i32 to index
      %swap3A_61 = arith.constant 16 : index
      %swap3A_62 = tpu.vector_load %arg10[%swap3A_59, %swap3A_60, %swap3A_61] {strides = array<i32>} : memref<4x128x128xf32, #tpu.memory_space<vmem>>, vector<1x1x16xf32>,
      %swap3A_63 = vector.shape_cast %swap3A_62 : vector<1x1x16xf32> to vector<16xf32>
      %swap3A_64 = vector.shape_cast %get3A_57 : vector<16xf32> to vector<1x1x16xf32>
      tpu.vector_store %arg10[%swap3A_59, %swap3A_60, %swap3A_61], %swap3A_64 {strides = array<i32>} : memref<4x128x128xf32, #tpu.memory_space<vmem>>, vector<1x1x16xf32>,
      %add3A_65 = arith.constant 256 : i32
      %add3A_66 = arith.addi %add3A_65, %scan3A_40 : i32
      %get3A_67 = arith.index_cast %add3A_66 : i32 to index
      %get3A_68 = arith.constant 0 : index
      %get3A_69 = tpu.vector_load %arg9[%get3A_67, %get3A_68] {strides = array<i32>} : memref<3328x16xf32, #tpu.memory_space<vmem>>, vector<1x16xf32>,
      %get3A_70 = vector.shape_cast %get3A_69 : vector<1x16xf32> to vector<16xf32>
      %swap3A_71 = arith.constant 0 : i32
      %swap3A_72 = arith.index_cast %swap3A_71 : i32 to index
      %swap3A_73 = arith.index_cast %scan3A_40 : i32 to index
      %swap3A_74 = arith.constant 32 : index
      %swap3A_75 = tpu.vector_load %arg10[%swap3A_72, %swap3A_73, %swap3A_74] {strides = array<i32>} : memref<4x128x128xf32, #tpu.memory_space<vmem>>, vector<1x1x16xf32>,
      %swap3A_76 = vector.shape_cast %swap3A_75 : vector<1x1x16xf32> to vector<16xf32>
      %swap3A_77 = vector.shape_cast %get3A_70 : vector<16xf32> to vector<1x1x16xf32>
      tpu.vector_store %arg10[%swap3A_72, %swap3A_73, %swap3A_74], %swap3A_77 {strides = array<i32>} : memref<4x128x128xf32, #tpu.memory_space<vmem>>, vector<1x1x16xf32>,
      %add3A_78 = arith.constant 384 : i32
      %add3A_79 = arith.addi %add3A_78, %scan3A_40 : i32
      %get3A_80 = arith.index_cast %add3A_79 : i32 to index
      %get3A_81 = arith.constant 0 : index
      %get3A_82 = tpu.vector_load %arg9[%get3A_80, %get3A_81] {strides = array<i32>} : memref<3328x16xf32, #tpu.memory_space<vmem>>, vector<1x16xf32>,
      %get3A_83 = vector.shape_cast %get3A_82 : vector<1x16xf32> to vector<16xf32>
      %swap3A_84 = arith.constant 0 : i32
      %swap3A_85 = arith.index_cast %swap3A_84 : i32 to index
      %swap3A_86 = arith.index_cast %scan3A_40 : i32 to index
      %swap3A_87 = arith.constant 48 : index
      %swap3A_88 = tpu.vector_load %arg10[%swap3A_85, %swap3A_86, %swap3A_87] {strides = array<i32>} : memref<4x128x128xf32, #tpu.memory_space<vmem>>, vector<1x1x16xf32>,
      %swap3A_89 = vector.shape_cast %swap3A_88 : vector<1x1x16xf32> to vector<16xf32>
      %swap3A_90 = vector.shape_cast %get3A_83 : vector<16xf32> to vector<1x1x16xf32>
      tpu.vector_store %arg10[%swap3A_85, %swap3A_86, %swap3A_87], %swap3A_90 {strides = array<i32>} : memref<4x128x128xf32, #tpu.memory_space<vmem>>, vector<1x1x16xf32>,
      %add3A_91 = arith.constant 512 : i32
      %add3A_92 = arith.addi %add3A_91, %scan3A_40 : i32
      %get3A_93 = arith.index_cast %add3A_92 : i32 to index
      %get3A_94 = arith.constant 0 : index
      %get3A_95 = tpu.vector_load %arg9[%get3A_93, %get3A_94] {strides = array<i32>} : memref<3328x16xf32, #tpu.memory_space<vmem>>, vector<1x16xf32>,
      %get3A_96 = vector.shape_cast %get3A_95 : vector<1x16xf32> to vector<16xf32>
      %swap3A_97 = arith.constant 0 : i32
      %swap3A_98 = arith.index_cast %swap3A_97 : i32 to index
      %swap3A_99 = arith.index_cast %scan3A_40 : i32 to index
      %swap3A_100 = arith.constant 64 : index
      %swap3A_101 = tpu.vector_load %arg10[%swap3A_98, %swap3A_99, %swap3A_100] {strides = array<i32>} : memref<4x128x128xf32, #tpu.memory_space<vmem>>, vector<1x1x16xf32>,
      %swap3A_102 = vector.shape_cast %swap3A_101 : vector<1x1x16xf32> to vector<16xf32>
      %swap3A_103 = vector.shape_cast %get3A_96 : vector<16xf32> to vector<1x1x16xf32>
      tpu.vector_store %arg10[%swap3A_98, %swap3A_99, %swap3A_100], %swap3A_103 {strides = array<i32>} : memref<4x128x128xf32, #tpu.memory_space<vmem>>, vector<1x1x16xf32>,
      %add3A_104 = arith.constant 640 : i32
      %add3A_105 = arith.addi %add3A_104, %scan3A_40 : i32
      %get3A_106 = arith.index_cast %add3A_105 : i32 to index
      %get3A_107 = arith.constant 0 : index
      %get3A_108 = tpu.vector_load %arg9[%get3A_106, %get3A_107] {strides = array<i32>} : memref<3328x16xf32, #tpu.memory_space<vmem>>, vector<1x16xf32>,
      %get3A_109 = vector.shape_cast %get3A_108 : vector<1x16xf32> to vector<16xf32>
      %swap3A_110 = arith.constant 0 : i32
      %swap3A_111 = arith.index_cast %swap3A_110 : i32 to index
      %swap3A_112 = arith.index_cast %scan3A_40 : i32 to index
      %swap3A_113 = arith.constant 80 : index
      %swap3A_114 = tpu.vector_load %arg10[%swap3A_111, %swap3A_112, %swap3A_113] {strides = array<i32>} : memref<4x128x128xf32, #tpu.memory_space<vmem>>, vector<1x1x16xf32>,
      %swap3A_115 = vector.shape_cast %swap3A_114 : vector<1x1x16xf32> to vector<16xf32>
      %swap3A_116 = vector.shape_cast %get3A_109 : vector<16xf32> to vector<1x1x16xf32>
      tpu.vector_store %arg10[%swap3A_111, %swap3A_112, %swap3A_113], %swap3A_116 {strides = array<i32>} : memref<4x128x128xf32, #tpu.memory_space<vmem>>, vector<1x1x16xf32>,
      %add3A_117 = arith.constant 768 : i32
      %add3A_118 = arith.addi %add3A_117, %scan3A_40 : i32
      %get3A_119 = arith.index_cast %add3A_118 : i32 to index
      %get3A_120 = arith.constant 0 : index
      %get3A_121 = tpu.vector_load %arg9[%get3A_119, %get3A_120] {strides = array<i32>} : memref<3328x16xf32, #tpu.memory_space<vmem>>, vector<1x16xf32>,
      %get3A_122 = vector.shape_cast %get3A_121 : vector<1x16xf32> to vector<16xf32>
      %swap3A_123 = arith.constant 0 : i32
      %swap3A_124 = arith.index_cast %swap3A_123 : i32 to index
      %swap3A_125 = arith.index_cast %scan3A_40 : i32 to index
      %swap3A_126 = arith.constant 96 : index
      %swap3A_127 = tpu.vector_load %arg10[%swap3A_124, %swap3A_125, %swap3A_126] {strides = array<i32>} : memref<4x128x128xf32, #tpu.memory_space<vmem>>, vector<1x1x16xf32>,
      %swap3A_128 = vector.shape_cast %swap3A_127 : vector<1x1x16xf32> to vector<16xf32>
      %swap3A_129 = vector.shape_cast %get3A_122 : vector<16xf32> to vector<1x1x16xf32>
      tpu.vector_store %arg10[%swap3A_124, %swap3A_125, %swap3A_126], %swap3A_129 {strides = array<i32>} : memref<4x128x128xf32, #tpu.memory_space<vmem>>, vector<1x1x16xf32>,
      %add3A_130 = arith.constant 896 : i32
      %add3A_131 = arith.addi %add3A_130, %scan3A_40 : i32
      %get3A_132 = arith.index_cast %add3A_131 : i32 to index
      %get3A_133 = arith.constant 0 : index
      %get3A_134 = tpu.vector_load %arg9[%get3A_132, %get3A_133] {strides = array<i32>} : memref<3328x16xf32, #tpu.memory_space<vmem>>, vector<1x16xf32>,
      %get3A_135 = vector.shape_cast %get3A_134 : vector<1x16xf32> to vector<16xf32>
      %swap3A_136 = arith.constant 0 : i32
      %swap3A_137 = arith.index_cast %swap3A_136 : i32 to index
      %swap3A_138 = arith.index_cast %scan3A_40 : i32 to index
      %swap3A_139 = arith.constant 112 : index
      %swap3A_140 = tpu.vector_load %arg10[%swap3A_137, %swap3A_138, %swap3A_139] {strides = array<i32>} : memref<4x128x128xf32, #tpu.memory_space<vmem>>, vector<1x1x16xf32>,
      %swap3A_141 = vector.shape_cast %swap3A_140 : vector<1x1x16xf32> to vector<16xf32>
      %swap3A_142 = vector.shape_cast %get3A_135 : vector<16xf32> to vector<1x1x16xf32>
      tpu.vector_store %arg10[%swap3A_137, %swap3A_138, %swap3A_139], %swap3A_142 {strides = array<i32>} : memref<4x128x128xf32, #tpu.memory_space<vmem>>, vector<1x1x16xf32>,
      %add3A_143 = arith.constant 1024 : i32
      %add3A_144 = arith.addi %add3A_143, %scan3A_40 : i32
      %get3A_145 = arith.index_cast %add3A_144 : i32 to index
      %get3A_146 = arith.constant 0 : index
      %get3A_147 = tpu.vector_load %arg9[%get3A_145, %get3A_146] {strides = array<i32>} : memref<3328x16xf32, #tpu.memory_space<vmem>>, vector<1x16xf32>,
      %get3A_148 = vector.shape_cast %get3A_147 : vector<1x16xf32> to vector<16xf32>
      %swap3A_149 = arith.constant 1 : i32
      %swap3A_150 = arith.index_cast %swap3A_149 : i32 to index
      %swap3A_151 = arith.index_cast %scan3A_40 : i32 to index
      %swap3A_152 = arith.constant 0 : index
      %swap3A_153 = tpu.vector_load %arg10[%swap3A_150, %swap3A_151, %swap3A_152] {strides = array<i32>} : memref<4x128x128xf32, #tpu.memory_space<vmem>>, vector<1x1x16xf32>,
      %swap3A_154 = vector.shape_cast %swap3A_153 : vector<1x1x16xf32> to vector<16xf32>
      %swap3A_155 = vector.shape_cast %get3A_148 : vector<16xf32> to vector<1x1x16xf32>
      tpu.vector_store %arg10[%swap3A_150, %swap3A_151, %swap3A_152], %swap3A_155 {strides = array<i32>} : memref<4x128x128xf32, #tpu.memory_space<vmem>>, vector<1x1x16xf32>,
      %add3A_156 = arith.constant 1152 : i32
      %add3A_157 = arith.addi %add3A_156, %scan3A_40 : i32
      %get3A_158 = arith.index_cast %add3A_157 : i32 to index
      %get3A_159 = arith.constant 0 : index
      %get3A_160 = tpu.vector_load %arg9[%get3A_158, %get3A_159] {strides = array<i32>} : memref<3328x16xf32, #tpu.memory_space<vmem>>, vector<1x16xf32>,
      %get3A_161 = vector.shape_cast %get3A_160 : vector<1x16xf32> to vector<16xf32>
      %swap3A_162 = arith.constant 1 : i32
      %swap3A_163 = arith.index_cast %swap3A_162 : i32 to index
      %swap3A_164 = arith.index_cast %scan3A_40 : i32 to index
      %swap3A_165 = arith.constant 16 : index
      %swap3A_166 = tpu.vector_load %arg10[%swap3A_163, %swap3A_164, %swap3A_165] {strides = array<i32>} : memref<4x128x128xf32, #tpu.memory_space<vmem>>, vector<1x1x16xf32>,
      %swap3A_167 = vector.shape_cast %swap3A_166 : vector<1x1x16xf32> to vector<16xf32>
      %swap3A_168 = vector.shape_cast %get3A_161 : vector<16xf32> to vector<1x1x16xf32>
      tpu.vector_store %arg10[%swap3A_163, %swap3A_164, %swap3A_165], %swap3A_168 {strides = array<i32>} : memref<4x128x128xf32, #tpu.memory_space<vmem>>, vector<1x1x16xf32>,
      %add3A_169 = arith.constant 1280 : i32
      %add3A_170 = arith.addi %add3A_169, %scan3A_40 : i32
      %get3A_171 = arith.index_cast %add3A_170 : i32 to index
      %get3A_172 = arith.constant 0 : index
      %get3A_173 = tpu.vector_load %arg9[%get3A_171, %get3A_172] {strides = array<i32>} : memref<3328x16xf32, #tpu.memory_space<vmem>>, vector<1x16xf32>,
      %get3A_174 = vector.shape_cast %get3A_173 : vector<1x16xf32> to vector<16xf32>
      %swap3A_175 = arith.constant 1 : i32
      %swap3A_176 = arith.index_cast %swap3A_175 : i32 to index
      %swap3A_177 = arith.index_cast %scan3A_40 : i32 to index
      %swap3A_178 = arith.constant 32 : index
      %swap3A_179 = tpu.vector_load %arg10[%swap3A_176, %swap3A_177, %swap3A_178] {strides = array<i32>} : memref<4x128x128xf32, #tpu.memory_space<vmem>>, vector<1x1x16xf32>,
      %swap3A_180 = vector.shape_cast %swap3A_179 : vector<1x1x16xf32> to vector<16xf32>
      %swap3A_181 = vector.shape_cast %get3A_174 : vector<16xf32> to vector<1x1x16xf32>
      tpu.vector_store %arg10[%swap3A_176, %swap3A_177, %swap3A_178], %swap3A_181 {strides = array<i32>} : memref<4x128x128xf32, #tpu.memory_space<vmem>>, vector<1x1x16xf32>,
      %add3A_182 = arith.constant 1408 : i32
      %add3A_183 = arith.addi %add3A_182, %scan3A_40 : i32
      %get3A_184 = arith.index_cast %add3A_183 : i32 to index
      %get3A_185 = arith.constant 0 : index
      %get3A_186 = tpu.vector_load %arg9[%get3A_184, %get3A_185] {strides = array<i32>} : memref<3328x16xf32, #tpu.memory_space<vmem>>, vector<1x16xf32>,
      %get3A_187 = vector.shape_cast %get3A_186 : vector<1x16xf32> to vector<16xf32>
      %swap3A_188 = arith.constant 1 : i32
      %swap3A_189 = arith.index_cast %swap3A_188 : i32 to index
      %swap3A_190 = arith.index_cast %scan3A_40 : i32 to index
      %swap3A_191 = arith.constant 48 : index
      %swap3A_192 = tpu.vector_load %arg10[%swap3A_189, %swap3A_190, %swap3A_191] {strides = array<i32>} : memref<4x128x128xf32, #tpu.memory_space<vmem>>, vector<1x1x16xf32>,
      %swap3A_193 = vector.shape_cast %swap3A_192 : vector<1x1x16xf32> to vector<16xf32>
      %swap3A_194 = vector.shape_cast %get3A_187 : vector<16xf32> to vector<1x1x16xf32>
      tpu.vector_store %arg10[%swap3A_189, %swap3A_190, %swap3A_191], %swap3A_194 {strides = array<i32>} : memref<4x128x128xf32, #tpu.memory_space<vmem>>, vector<1x1x16xf32>,
      %add3A_195 = arith.constant 1536 : i32
      %add3A_196 = arith.addi %add3A_195, %scan3A_40 : i32
      %get3A_197 = arith.index_cast %add3A_196 : i32 to index
      %get3A_198 = arith.constant 0 : index
      %get3A_199 = tpu.vector_load %arg9[%get3A_197, %get3A_198] {strides = array<i32>} : memref<3328x16xf32, #tpu.memory_space<vmem>>, vector<1x16xf32>,
      %get3A_200 = vector.shape_cast %get3A_199 : vector<1x16xf32> to vector<16xf32>
      %swap3A_201 = arith.constant 1 : i32
      %swap3A_202 = arith.index_cast %swap3A_201 : i32 to index
      %swap3A_203 = arith.index_cast %scan3A_40 : i32 to index
      %swap3A_204 = arith.constant 64 : index
      %swap3A_205 = tpu.vector_load %arg10[%swap3A_202, %swap3A_203, %swap3A_204] {strides = array<i32>} : memref<4x128x128xf32, #tpu.memory_space<vmem>>, vector<1x1x16xf32>,
      %swap3A_206 = vector.shape_cast %swap3A_205 : vector<1x1x16xf32> to vector<16xf32>
      %swap3A_207 = vector.shape_cast %get3A_200 : vector<16xf32> to vector<1x1x16xf32>
      tpu.vector_store %arg10[%swap3A_202, %swap3A_203, %swap3A_204], %swap3A_207 {strides = array<i32>} : memref<4x128x128xf32, #tpu.memory_space<vmem>>, vector<1x1x16xf32>,
      %add3A_208 = arith.constant 1664 : i32
      %add3A_209 = arith.addi %add3A_208, %scan3A_40 : i32
      %get3A_210 = arith.index_cast %add3A_209 : i32 to index
      %get3A_211 = arith.constant 0 : index
      %get3A_212 = tpu.vector_load %arg9[%get3A_210, %get3A_211] {strides = array<i32>} : memref<3328x16xf32, #tpu.memory_space<vmem>>, vector<1x16xf32>,
      %get3A_213 = vector.shape_cast %get3A_212 : vector<1x16xf32> to vector<16xf32>
      %swap3A_214 = arith.constant 1 : i32
      %swap3A_215 = arith.index_cast %swap3A_214 : i32 to index
      %swap3A_216 = arith.index_cast %scan3A_40 : i32 to index
      %swap3A_217 = arith.constant 80 : index
      %swap3A_218 = tpu.vector_load %arg10[%swap3A_215, %swap3A_216, %swap3A_217] {strides = array<i32>} : memref<4x128x128xf32, #tpu.memory_space<vmem>>, vector<1x1x16xf32>,
      %swap3A_219 = vector.shape_cast %swap3A_218 : vector<1x1x16xf32> to vector<16xf32>
      %swap3A_220 = vector.shape_cast %get3A_213 : vector<16xf32> to vector<1x1x16xf32>
      tpu.vector_store %arg10[%swap3A_215, %swap3A_216, %swap3A_217], %swap3A_220 {strides = array<i32>} : memref<4x128x128xf32, #tpu.memory_space<vmem>>, vector<1x1x16xf32>,
      %add3A_221 = arith.constant 1792 : i32
      %add3A_222 = arith.addi %add3A_221, %scan3A_40 : i32
      %get3A_223 = arith.index_cast %add3A_222 : i32 to index
      %get3A_224 = arith.constant 0 : index
      %get3A_225 = tpu.vector_load %arg9[%get3A_223, %get3A_224] {strides = array<i32>} : memref<3328x16xf32, #tpu.memory_space<vmem>>, vector<1x16xf32>,
      %get3A_226 = vector.shape_cast %get3A_225 : vector<1x16xf32> to vector<16xf32>
      %swap3A_227 = arith.constant 1 : i32
      %swap3A_228 = arith.index_cast %swap3A_227 : i32 to index
      %swap3A_229 = arith.index_cast %scan3A_40 : i32 to index
      %swap3A_230 = arith.constant 96 : index
      %swap3A_231 = tpu.vector_load %arg10[%swap3A_228, %swap3A_229, %swap3A_230] {strides = array<i32>} : memref<4x128x128xf32, #tpu.memory_space<vmem>>, vector<1x1x16xf32>,
      %swap3A_232 = vector.shape_cast %swap3A_231 : vector<1x1x16xf32> to vector<16xf32>
      %swap3A_233 = vector.shape_cast %get3A_226 : vector<16xf32> to vector<1x1x16xf32>
      tpu.vector_store %arg10[%swap3A_228, %swap3A_229, %swap3A_230], %swap3A_233 {strides = array<i32>} : memref<4x128x128xf32, #tpu.memory_space<vmem>>, vector<1x1x16xf32>,
      %add3A_234 = arith.constant 1920 : i32
      %add3A_235 = arith.addi %add3A_234, %scan3A_40 : i32
      %get3A_236 = arith.index_cast %add3A_235 : i32 to index
      %get3A_237 = arith.constant 0 : index
      %get3A_238 = tpu.vector_load %arg9[%get3A_236, %get3A_237] {strides = array<i32>} : memref<3328x16xf32, #tpu.memory_space<vmem>>, vector<1x16xf32>,
      %get3A_239 = vector.shape_cast %get3A_238 : vector<1x16xf32> to vector<16xf32>
      %swap3A_240 = arith.constant 1 : i32
      %swap3A_241 = arith.index_cast %swap3A_240 : i32 to index
      %swap3A_242 = arith.index_cast %scan3A_40 : i32 to index
      %swap3A_243 = arith.constant 112 : index
      %swap3A_244 = tpu.vector_load %arg10[%swap3A_241, %swap3A_242, %swap3A_243] {strides = array<i32>} : memref<4x128x128xf32, #tpu.memory_space<vmem>>, vector<1x1x16xf32>,
      %swap3A_245 = vector.shape_cast %swap3A_244 : vector<1x1x16xf32> to vector<16xf32>
      %swap3A_246 = vector.shape_cast %get3A_239 : vector<16xf32> to vector<1x1x16xf32>
      tpu.vector_store %arg10[%swap3A_241, %swap3A_242, %swap3A_243], %swap3A_246 {strides = array<i32>} : memref<4x128x128xf32, #tpu.memory_space<vmem>>, vector<1x1x16xf32>,
      %add3A_247 = arith.constant 2048 : i32
      %add3A_248 = arith.addi %add3A_247, %scan3A_40 : i32
      %get3A_249 = arith.index_cast %add3A_248 : i32 to index
      %get3A_250 = arith.constant 0 : index
      %get3A_251 = tpu.vector_load %arg9[%get3A_249, %get3A_250] {strides = array<i32>} : memref<3328x16xf32, #tpu.memory_space<vmem>>, vector<1x16xf32>,
      %get3A_252 = vector.shape_cast %get3A_251 : vector<1x16xf32> to vector<16xf32>
      %swap3A_253 = arith.constant 2 : i32
      %swap3A_254 = arith.index_cast %swap3A_253 : i32 to index
      %swap3A_255 = arith.index_cast %scan3A_40 : i32 to index
      %swap3A_256 = arith.constant 0 : index
      %swap3A_257 = tpu.vector_load %arg10[%swap3A_254, %swap3A_255, %swap3A_256] {strides = array<i32>} : memref<4x128x128xf32, #tpu.memory_space<vmem>>, vector<1x1x16xf32>,
      %swap3A_258 = vector.shape_cast %swap3A_257 : vector<1x1x16xf32> to vector<16xf32>
      %swap3A_259 = vector.shape_cast %get3A_252 : vector<16xf32> to vector<1x1x16xf32>
      tpu.vector_store %arg10[%swap3A_254, %swap3A_255, %swap3A_256], %swap3A_259 {strides = array<i32>} : memref<4x128x128xf32, #tpu.memory_space<vmem>>, vector<1x1x16xf32>,
      %add3A_260 = arith.constant 2176 : i32
      %add3A_261 = arith.addi %add3A_260, %scan3A_40 : i32
      %get3A_262 = arith.index_cast %add3A_261 : i32 to index
      %get3A_263 = arith.constant 0 : index
      %get3A_264 = tpu.vector_load %arg9[%get3A_262, %get3A_263] {strides = array<i32>} : memref<3328x16xf32, #tpu.memory_space<vmem>>, vector<1x16xf32>,
      %get3A_265 = vector.shape_cast %get3A_264 : vector<1x16xf32> to vector<16xf32>
      %swap3A_266 = arith.constant 2 : i32
      %swap3A_267 = arith.index_cast %swap3A_266 : i32 to index
      %swap3A_268 = arith.index_cast %scan3A_40 : i32 to index
      %swap3A_269 = arith.constant 16 : index
      %swap3A_270 = tpu.vector_load %arg10[%swap3A_267, %swap3A_268, %swap3A_269] {strides = array<i32>} : memref<4x128x128xf32, #tpu.memory_space<vmem>>, vector<1x1x16xf32>,
      %swap3A_271 = vector.shape_cast %swap3A_270 : vector<1x1x16xf32> to vector<16xf32>
      %swap3A_272 = vector.shape_cast %get3A_265 : vector<16xf32> to vector<1x1x16xf32>
      tpu.vector_store %arg10[%swap3A_267, %swap3A_268, %swap3A_269], %swap3A_272 {strides = array<i32>} : memref<4x128x128xf32, #tpu.memory_space<vmem>>, vector<1x1x16xf32>,
      %add3A_273 = arith.constant 2304 : i32
      %add3A_274 = arith.addi %add3A_273, %scan3A_40 : i32
      %get3A_275 = arith.index_cast %add3A_274 : i32 to index
      %get3A_276 = arith.constant 0 : index
      %get3A_277 = tpu.vector_load %arg9[%get3A_275, %get3A_276] {strides = array<i32>} : memref<3328x16xf32, #tpu.memory_space<vmem>>, vector<1x16xf32>,
      %get3A_278 = vector.shape_cast %get3A_277 : vector<1x16xf32> to vector<16xf32>
      %swap3A_279 = arith.constant 2 : i32
      %swap3A_280 = arith.index_cast %swap3A_279 : i32 to index
      %swap3A_281 = arith.index_cast %scan3A_40 : i32 to index
      %swap3A_282 = arith.constant 32 : index
      %swap3A_283 = tpu.vector_load %arg10[%swap3A_280, %swap3A_281, %swap3A_282] {strides = array<i32>} : memref<4x128x128xf32, #tpu.memory_space<vmem>>, vector<1x1x16xf32>,
      %swap3A_284 = vector.shape_cast %swap3A_283 : vector<1x1x16xf32> to vector<16xf32>
      %swap3A_285 = vector.shape_cast %get3A_278 : vector<16xf32> to vector<1x1x16xf32>
      tpu.vector_store %arg10[%swap3A_280, %swap3A_281, %swap3A_282], %swap3A_285 {strides = array<i32>} : memref<4x128x128xf32, #tpu.memory_space<vmem>>, vector<1x1x16xf32>,
      %add3A_286 = arith.constant 2432 : i32
      %add3A_287 = arith.addi %add3A_286, %scan3A_40 : i32
      %get3A_288 = arith.index_cast %add3A_287 : i32 to index
      %get3A_289 = arith.constant 0 : index
      %get3A_290 = tpu.vector_load %arg9[%get3A_288, %get3A_289] {strides = array<i32>} : memref<3328x16xf32, #tpu.memory_space<vmem>>, vector<1x16xf32>,
      %get3A_291 = vector.shape_cast %get3A_290 : vector<1x16xf32> to vector<16xf32>
      %swap3A_292 = arith.constant 2 : i32
      %swap3A_293 = arith.index_cast %swap3A_292 : i32 to index
      %swap3A_294 = arith.index_cast %scan3A_40 : i32 to index
      %swap3A_295 = arith.constant 48 : index
      %swap3A_296 = tpu.vector_load %arg10[%swap3A_293, %swap3A_294, %swap3A_295] {strides = array<i32>} : memref<4x128x128xf32, #tpu.memory_space<vmem>>, vector<1x1x16xf32>,
      %swap3A_297 = vector.shape_cast %swap3A_296 : vector<1x1x16xf32> to vector<16xf32>
      %swap3A_298 = vector.shape_cast %get3A_291 : vector<16xf32> to vector<1x1x16xf32>
      tpu.vector_store %arg10[%swap3A_293, %swap3A_294, %swap3A_295], %swap3A_298 {strides = array<i32>} : memref<4x128x128xf32, #tpu.memory_space<vmem>>, vector<1x1x16xf32>,
      %add3A_299 = arith.constant 2560 : i32
      %add3A_300 = arith.addi %add3A_299, %scan3A_40 : i32
      %get3A_301 = arith.index_cast %add3A_300 : i32 to index
      %get3A_302 = arith.constant 0 : index
      %get3A_303 = tpu.vector_load %arg9[%get3A_301, %get3A_302] {strides = array<i32>} : memref<3328x16xf32, #tpu.memory_space<vmem>>, vector<1x16xf32>,
      %get3A_304 = vector.shape_cast %get3A_303 : vector<1x16xf32> to vector<16xf32>
      %swap3A_305 = arith.constant 2 : i32
      %swap3A_306 = arith.index_cast %swap3A_305 : i32 to index
      %swap3A_307 = arith.index_cast %scan3A_40 : i32 to index
      %swap3A_308 = arith.constant 64 : index
      %swap3A_309 = tpu.vector_load %arg10[%swap3A_306, %swap3A_307, %swap3A_308] {strides = array<i32>} : memref<4x128x128xf32, #tpu.memory_space<vmem>>, vector<1x1x16xf32>,
      %swap3A_310 = vector.shape_cast %swap3A_309 : vector<1x1x16xf32> to vector<16xf32>
      %swap3A_311 = vector.shape_cast %get3A_304 : vector<16xf32> to vector<1x1x16xf32>
      tpu.vector_store %arg10[%swap3A_306, %swap3A_307, %swap3A_308], %swap3A_311 {strides = array<i32>} : memref<4x128x128xf32, #tpu.memory_space<vmem>>, vector<1x1x16xf32>,
      %add3A_312 = arith.constant 2688 : i32
      %add3A_313 = arith.addi %add3A_312, %scan3A_40 : i32
      %get3A_314 = arith.index_cast %add3A_313 : i32 to index
      %get3A_315 = arith.constant 0 : index
      %get3A_316 = tpu.vector_load %arg9[%get3A_314, %get3A_315] {strides = array<i32>} : memref<3328x16xf32, #tpu.memory_space<vmem>>, vector<1x16xf32>,
      %get3A_317 = vector.shape_cast %get3A_316 : vector<1x16xf32> to vector<16xf32>
      %swap3A_318 = arith.constant 2 : i32
      %swap3A_319 = arith.index_cast %swap3A_318 : i32 to index
      %swap3A_320 = arith.index_cast %scan3A_40 : i32 to index
      %swap3A_321 = arith.constant 80 : index
      %swap3A_322 = tpu.vector_load %arg10[%swap3A_319, %swap3A_320, %swap3A_321] {strides = array<i32>} : memref<4x128x128xf32, #tpu.memory_space<vmem>>, vector<1x1x16xf32>,
      %swap3A_323 = vector.shape_cast %swap3A_322 : vector<1x1x16xf32> to vector<16xf32>
      %swap3A_324 = vector.shape_cast %get3A_317 : vector<16xf32> to vector<1x1x16xf32>
      tpu.vector_store %arg10[%swap3A_319, %swap3A_320, %swap3A_321], %swap3A_324 {strides = array<i32>} : memref<4x128x128xf32, #tpu.memory_space<vmem>>, vector<1x1x16xf32>,
      %add3A_325 = arith.constant 2816 : i32
      %add3A_326 = arith.addi %add3A_325, %scan3A_40 : i32
      %get3A_327 = arith.index_cast %add3A_326 : i32 to index
      %get3A_328 = arith.constant 0 : index
      %get3A_329 = tpu.vector_load %arg9[%get3A_327, %get3A_328] {strides = array<i32>} : memref<3328x16xf32, #tpu.memory_space<vmem>>, vector<1x16xf32>,
      %get3A_330 = vector.shape_cast %get3A_329 : vector<1x16xf32> to vector<16xf32>
      %swap3A_331 = arith.constant 2 : i32
      %swap3A_332 = arith.index_cast %swap3A_331 : i32 to index
      %swap3A_333 = arith.index_cast %scan3A_40 : i32 to index
      %swap3A_334 = arith.constant 96 : index
      %swap3A_335 = tpu.vector_load %arg10[%swap3A_332, %swap3A_333, %swap3A_334] {strides = array<i32>} : memref<4x128x128xf32, #tpu.memory_space<vmem>>, vector<1x1x16xf32>,
      %swap3A_336 = vector.shape_cast %swap3A_335 : vector<1x1x16xf32> to vector<16xf32>
      %swap3A_337 = vector.shape_cast %get3A_330 : vector<16xf32> to vector<1x1x16xf32>
      tpu.vector_store %arg10[%swap3A_332, %swap3A_333, %swap3A_334], %swap3A_337 {strides = array<i32>} : memref<4x128x128xf32, #tpu.memory_space<vmem>>, vector<1x1x16xf32>,
      %add3A_338 = arith.constant 2944 : i32
      %add3A_339 = arith.addi %add3A_338, %scan3A_40 : i32
      %get3A_340 = arith.index_cast %add3A_339 : i32 to index
      %get3A_341 = arith.constant 0 : index
      %get3A_342 = tpu.vector_load %arg9[%get3A_340, %get3A_341] {strides = array<i32>} : memref<3328x16xf32, #tpu.memory_space<vmem>>, vector<1x16xf32>,
      %get3A_343 = vector.shape_cast %get3A_342 : vector<1x16xf32> to vector<16xf32>
      %swap3A_344 = arith.constant 2 : i32
      %swap3A_345 = arith.index_cast %swap3A_344 : i32 to index
      %swap3A_346 = arith.index_cast %scan3A_40 : i32 to index
      %swap3A_347 = arith.constant 112 : index
      %swap3A_348 = tpu.vector_load %arg10[%swap3A_345, %swap3A_346, %swap3A_347] {strides = array<i32>} : memref<4x128x128xf32, #tpu.memory_space<vmem>>, vector<1x1x16xf32>,
      %swap3A_349 = vector.shape_cast %swap3A_348 : vector<1x1x16xf32> to vector<16xf32>
      %swap3A_350 = vector.shape_cast %get3A_343 : vector<16xf32> to vector<1x1x16xf32>
      tpu.vector_store %arg10[%swap3A_345, %swap3A_346, %swap3A_347], %swap3A_350 {strides = array<i32>} : memref<4x128x128xf32, #tpu.memory_space<vmem>>, vector<1x1x16xf32>,
      %add3A_351 = arith.constant 3072 : i32
      %add3A_352 = arith.addi %add3A_351, %scan3A_40 : i32
      %get3A_353 = arith.index_cast %add3A_352 : i32 to index
      %get3A_354 = arith.constant 0 : index
      %get3A_355 = tpu.vector_load %arg9[%get3A_353, %get3A_354] {strides = array<i32>} : memref<3328x16xf32, #tpu.memory_space<vmem>>, vector<1x16xf32>,
      %get3A_356 = vector.shape_cast %get3A_355 : vector<1x16xf32> to vector<16xf32>
      %swap3A_357 = arith.constant 3 : i32
      %swap3A_358 = arith.index_cast %swap3A_357 : i32 to index
      %swap3A_359 = arith.index_cast %scan3A_40 : i32 to index
      %swap3A_360 = arith.constant 0 : index
      %swap3A_361 = tpu.vector_load %arg10[%swap3A_358, %swap3A_359, %swap3A_360] {strides = array<i32>} : memref<4x128x128xf32, #tpu.memory_space<vmem>>, vector<1x1x16xf32>,
      %swap3A_362 = vector.shape_cast %swap3A_361 : vector<1x1x16xf32> to vector<16xf32>
      %swap3A_363 = vector.shape_cast %get3A_356 : vector<16xf32> to vector<1x1x16xf32>
      tpu.vector_store %arg10[%swap3A_358, %swap3A_359, %swap3A_360], %swap3A_363 {strides = array<i32>} : memref<4x128x128xf32, #tpu.memory_space<vmem>>, vector<1x1x16xf32>,
      %add3A_364 = arith.constant 3200 : i32
      %add3A_365 = arith.addi %add3A_364, %scan3A_40 : i32
      %get3A_366 = arith.index_cast %add3A_365 : i32 to index
      %get3A_367 = arith.constant 0 : index
      %get3A_368 = tpu.vector_load %arg9[%get3A_366, %get3A_367] {strides = array<i32>} : memref<3328x16xf32, #tpu.memory_space<vmem>>, vector<1x16xf32>,
      %get3A_369 = vector.shape_cast %get3A_368 : vector<1x16xf32> to vector<16xf32>
      %swap3A_370 = arith.constant 3 : i32
      %swap3A_371 = arith.index_cast %swap3A_370 : i32 to index
      %swap3A_372 = arith.index_cast %scan3A_40 : i32 to index
      %swap3A_373 = arith.constant 16 : index
      %swap3A_374 = tpu.vector_load %arg10[%swap3A_371, %swap3A_372, %swap3A_373] {strides = array<i32>} : memref<4x128x128xf32, #tpu.memory_space<vmem>>, vector<1x1x16xf32>,
      %swap3A_375 = vector.shape_cast %swap3A_374 : vector<1x1x16xf32> to vector<16xf32>
      %swap3A_376 = vector.shape_cast %get3A_369 : vector<16xf32> to vector<1x1x16xf32>
      tpu.vector_store %arg10[%swap3A_371, %swap3A_372, %swap3A_373], %swap3A_376 {strides = array<i32>} : memref<4x128x128xf32, #tpu.memory_space<vmem>>, vector<1x1x16xf32>,
    }
    %scan3A_37 = arith.constant 128 : i32
    %mul3A_38 = arith.constant 128 : i32
    %mul3A_39 = arith.muli %add3A, %mul3A_38 : i32
    "tpu.region"() ({
      %run_scoped3A = tpu.sem_alloc : memref<!tpu.dma_semaphore, #tpu.memory_space<semaphore_mem>>
      %dma_start3A = arith.constant 0 : i32
      %dma_start3A_40 = arith.constant 0 : i32
      %dma_start3A_41 = tpu.memref_slice %arg7[%dma_start3A, %mul3A_39, %dma_start3A_40] : memref<4x4096x128xf32, #tpu.memory_space<hbm>> -> memref<4x128x128xf32, #tpu.memory_space<hbm>>
      %dma_start3A_42 = arith.constant 0 : i32
      %dma_start3A_43 = arith.constant 0 : i32
      %dma_start3A_44 = tpu.memref_slice %arg7[%dma_start3A_42, %mul3A_39, %dma_start3A_43] : memref<4x4096x128xf32, #tpu.memory_space<hbm>> -> memref<4x128x128xf32, #tpu.memory_space<hbm>>
      tpu.enqueue_dma source(%arg10 : memref<4x128x128xf32, #tpu.memory_space<vmem>>) target(%dma_start3A_44 : memref<4x128x128xf32, #tpu.memory_space<hbm>>) target_semaphore(%run_scoped3A : memref<!tpu.dma_semaphore, #tpu.memory_space<semaphore_mem>>)
      %dma_wait3A = arith.constant 0 : i32
      %dma_wait3A_45 = arith.constant 0 : i32
      %dma_wait3A_46 = tpu.memref_slice %arg7[%dma_wait3A, %mul3A_39, %dma_wait3A_45] : memref<4x4096x128xf32, #tpu.memory_space<hbm>> -> memref<4x128x128xf32, #tpu.memory_space<hbm>>
      %dma_wait3A_47 = arith.constant 0 : i32
      %dma_wait3A_48 = arith.constant 0 : i32
      %dma_wait3A_49 = tpu.memref_slice %arg7[%dma_wait3A_47, %mul3A_39, %dma_wait3A_48] : memref<4x4096x128xf32, #tpu.memory_space<hbm>> -> memref<4x128x128xf32, #tpu.memory_space<hbm>>
      tpu.wait_dma2 semaphore(%run_scoped3A : memref<!tpu.dma_semaphore, #tpu.memory_space<semaphore_mem>>) src(%arg10 : memref<4x128x128xf32, #tpu.memory_space<vmem>>) dst(%dma_wait3A_49 : memref<4x128x128xf32, #tpu.memory_space<hbm>>)
      tpu.yield
    }) : () -> ()
    return
  }
}

module attributes {stable_mosaic.version = 14 : i64} {
  func.func @_tc_body(%arg0: i32, %arg1: memref<4x512x128xf32, #tpu.memory_space<vmem>>, %arg2: memref<512x13xf32, #tpu.memory_space<vmem>>, %arg3: memref<4x512x128xf32, #tpu.memory_space<vmem>>, %arg4: memref<512x26xf32, #tpu.memory_space<vmem>>, %arg5: memref<512x512xf32, #tpu.memory_space<vmem>>, %arg6: memref<512x13xf32, #tpu.memory_space<vmem>>, %arg7: memref<1x512xf32, #tpu.memory_space<vmem>>, %arg8: memref<256x512xf32, #tpu.memory_space<vmem>>, %arg9: memref<1x256xf32, #tpu.memory_space<vmem>>, %arg10: memref<1x256xf32, #tpu.memory_space<vmem>>, %arg11: memref<1x1xf32, #tpu.memory_space<vmem>>, %arg12: memref<1x13xf32, #tpu.memory_space<vmem>>, %arg13: memref<1x1xf32, #tpu.memory_space<vmem>>, %arg14: memref<512x1xf32, #tpu.memory_space<vmem>>) attributes {dimension_semantics = [#tpu.dimension_semantics<arbitrary>], iteration_bounds = array<i64: 8>, scalar_prefetch = 0 : i64, scratch_operands = 0 : i64, tpu.core_type = #tpu.core_type<tc>, window_params = [{transform_indices = @transform_0, window_bounds = array<i64: 4, 512, 128>}, {transform_indices = @transform_1, window_bounds = array<i64: 512, 13>}, {transform_indices = @transform_2, window_bounds = array<i64: 4, 512, 128>}, {transform_indices = @transform_3, window_bounds = array<i64: 512, 26>}, {pipeline_mode = #tpu.pipeline_mode<synchronous>, transform_indices = @transform_4, window_bounds = array<i64: 512, 512>}, {pipeline_mode = #tpu.pipeline_mode<synchronous>, transform_indices = @transform_5, window_bounds = array<i64: 512, 13>}, {pipeline_mode = #tpu.pipeline_mode<synchronous>, transform_indices = @transform_6, window_bounds = array<i64: 1, 512>}, {pipeline_mode = #tpu.pipeline_mode<synchronous>, transform_indices = @transform_7, window_bounds = array<i64: 256, 512>}, {pipeline_mode = #tpu.pipeline_mode<synchronous>, transform_indices = @transform_8, window_bounds = array<i64: 1, 256>}, {pipeline_mode = #tpu.pipeline_mode<synchronous>, transform_indices = @transform_9, window_bounds = array<i64: 1, 256>}, {pipeline_mode = #tpu.pipeline_mode<synchronous>, transform_indices = @transform_10, window_bounds = array<i64: 1, 1>}, {pipeline_mode = #tpu.pipeline_mode<synchronous>, transform_indices = @transform_11, window_bounds = array<i64: 1, 13>}, {pipeline_mode = #tpu.pipeline_mode<synchronous>, transform_indices = @transform_12, window_bounds = array<i64: 1, 1>}, {transform_indices = @transform_13, window_bounds = array<i64: 512, 1>}]} {
    %iota3A = tpu.iota {dimensions = array<i32: 1>} : vector<512x512xi32>
    %lt3A = arith.constant 416 : i32
    %lt3A_0 = vector.broadcast %lt3A : i32 to vector<512x512xi32>
    %lt3A_1 = arith.cmpi slt, %iota3A, %lt3A_0 : vector<512x512xi32>
    %get3A = arith.constant 0 : index
    %get3A_2 = arith.constant 0 : index
    %get3A_3 = arith.constant 0 : index
    %get3A_4 = vector.load %arg1[%get3A, %get3A_2, %get3A_3] : memref<4x512x128xf32, #tpu.memory_space<vmem>>, vector<4x512x128xf32>
    %slice3A = vector.extract_strided_slice %get3A_4 {offsets = [0, 0, 0], sizes = [1, 512, 128], strides = [1, 1, 1]} : vector<4x512x128xf32> to vector<1x512x128xf32>
    %squeeze3A = vector.shape_cast %slice3A : vector<1x512x128xf32> to vector<512x128xf32>
    %slice3A_5 = vector.extract_strided_slice %get3A_4 {offsets = [1, 0, 0], sizes = [1, 512, 128], strides = [1, 1, 1]} : vector<4x512x128xf32> to vector<1x512x128xf32>
    %squeeze3A_6 = vector.shape_cast %slice3A_5 : vector<1x512x128xf32> to vector<512x128xf32>
    %slice3A_7 = vector.extract_strided_slice %get3A_4 {offsets = [2, 0, 0], sizes = [1, 512, 128], strides = [1, 1, 1]} : vector<4x512x128xf32> to vector<1x512x128xf32>
    %squeeze3A_8 = vector.shape_cast %slice3A_7 : vector<1x512x128xf32> to vector<512x128xf32>
    %slice3A_9 = vector.extract_strided_slice %get3A_4 {offsets = [3, 0, 0], sizes = [1, 512, 128], strides = [1, 1, 1]} : vector<4x512x128xf32> to vector<1x512x128xf32>
    %squeeze3A_10 = vector.shape_cast %slice3A_9 : vector<1x512x128xf32> to vector<512x128xf32>
    %concatenate3A = tpu.concatenate %squeeze3A, %squeeze3A_6, %squeeze3A_8, %squeeze3A_10 in 1 : vector<512x128xf32>, vector<512x128xf32>, vector<512x128xf32>, vector<512x128xf32> -> vector<512x512xf32>
    %jit3A = arith.constant 0.000000e+00 : f32
    %broadcast_in_dim3A = vector.broadcast %jit3A : f32 to vector<512x512xf32>
    %select_n3A = arith.select %lt3A_1, %concatenate3A, %broadcast_in_dim3A : vector<512x512xi1>, vector<512x512xf32>
    %get3A_11 = arith.constant 0 : index
    %get3A_12 = arith.constant 0 : index
    %get3A_13 = vector.load %arg2[%get3A_11, %get3A_12] : memref<512x13xf32, #tpu.memory_space<vmem>>, vector<512x13xf32>
    %get3A_14 = arith.constant 0 : index
    %get3A_15 = arith.constant 0 : index
    %get3A_16 = vector.load %arg5[%get3A_14, %get3A_15] : memref<512x512xf32, #tpu.memory_space<vmem>>, vector<512x512xf32>
    %dot_general3A = arith.constant dense<0.000000e+00> : vector<512x512xf32>
    %dot_general3A_17 = tpu.matmul %select_n3A, %get3A_16, %dot_general3A {dimension_numbers = #tpu.dot_dimension_numbers<[1], [1], [0], [0], [0, 0, 1, 0], [], []>, precision = #tpu.contract_precision<fp32>, transpose_lhs_hint = false} : vector<512x512xf32>, vector<512x512xf32>, vector<512x512xf32> -> vector<512x512xf32>
    %get3A_18 = arith.constant 0 : index
    %get3A_19 = arith.constant 0 : index
    %get3A_20 = vector.load %arg6[%get3A_18, %get3A_19] : memref<512x13xf32, #tpu.memory_space<vmem>>, vector<512x13xf32>
    %dot_general3A_21 = arith.constant dense<0.000000e+00> : vector<512x512xf32>
    %dot_general3A_22 = tpu.matmul %get3A_13, %get3A_20, %dot_general3A_21 {dimension_numbers = #tpu.dot_dimension_numbers<[1], [1], [0], [0], [0, 0, 1, 0], [], []>, precision = #tpu.contract_precision<fp32>, transpose_lhs_hint = false} : vector<512x13xf32>, vector<512x13xf32>, vector<512x512xf32> -> vector<512x512xf32>
    %add3A = arith.addf %dot_general3A_17, %dot_general3A_22 : vector<512x512xf32>
    %get3A_23 = arith.constant 0 : index
    %get3A_24 = arith.constant 0 : index
    %get3A_25 = vector.load %arg7[%get3A_23, %get3A_24] : memref<1x512xf32, #tpu.memory_space<vmem>>, vector<1x512xf32>
    %add3A_26 = vector.broadcast %get3A_25 : vector<1x512xf32> to vector<512x512xf32>
    %add3A_27 = arith.addf %add3A, %add3A_26 : vector<512x512xf32>
    %max3A = arith.constant 0.000000e+00 : f32
    %max3A_28 = vector.broadcast %max3A : f32 to vector<512x512xf32>
    %max3A_29 = arith.maximumf %add3A_27, %max3A_28 : vector<512x512xf32>
    %get3A_30 = arith.constant 0 : index
    %get3A_31 = arith.constant 0 : index
    %get3A_32 = vector.load %arg8[%get3A_30, %get3A_31] : memref<256x512xf32, #tpu.memory_space<vmem>>, vector<256x512xf32>
    %dot_general3A_33 = arith.constant dense<0.000000e+00> : vector<512x256xf32>
    %dot_general3A_34 = tpu.matmul %max3A_29, %get3A_32, %dot_general3A_33 {dimension_numbers = #tpu.dot_dimension_numbers<[1], [1], [0], [0], [0, 0, 1, 0], [], []>, precision = #tpu.contract_precision<fp32>, transpose_lhs_hint = false} : vector<512x512xf32>, vector<256x512xf32>, vector<512x256xf32> -> vector<512x256xf32>
    %get3A_35 = arith.constant 0 : index
    %get3A_36 = arith.constant 0 : index
    %get3A_37 = vector.load %arg9[%get3A_35, %get3A_36] : memref<1x256xf32, #tpu.memory_space<vmem>>, vector<1x256xf32>
    %add3A_38 = vector.broadcast %get3A_37 : vector<1x256xf32> to vector<512x256xf32>
    %add3A_39 = arith.addf %dot_general3A_34, %add3A_38 : vector<512x256xf32>
    %max3A_40 = arith.constant 0.000000e+00 : f32
    %max3A_41 = vector.broadcast %max3A_40 : f32 to vector<512x256xf32>
    %max3A_42 = arith.maximumf %add3A_39, %max3A_41 : vector<512x256xf32>
    %get3A_43 = arith.constant 0 : index
    %get3A_44 = arith.constant 0 : index
    %get3A_45 = vector.load %arg10[%get3A_43, %get3A_44] : memref<1x256xf32, #tpu.memory_space<vmem>>, vector<1x256xf32>
    %mul3A = vector.broadcast %get3A_45 : vector<1x256xf32> to vector<512x256xf32>
    %mul3A_46 = arith.mulf %max3A_42, %mul3A : vector<512x256xf32>
    %reduce_sum3A = arith.constant dense<0.000000e+00> : vector<512xf32>
    %reduce_sum3A_47 = vector.multi_reduction <add>, %mul3A_46, %reduce_sum3A [1] : vector<512x256xf32> to vector<512xf32>
    %broadcast_in_dim3A_48 = vector.shape_cast %reduce_sum3A_47 : vector<512xf32> to vector<512x1xf32>
    %get3A_49 = arith.constant 0 : index
    %get3A_50 = arith.constant 0 : index
    %get3A_51 = vector.load %arg11[%get3A_49, %get3A_50] : memref<1x1xf32, #tpu.memory_space<vmem>>, vector<1x1xf32>
    %get3A_52 = vector.extract %get3A_51[0, 0] : f32 from vector<1x1xf32>
    %add3A_53 = vector.broadcast %get3A_52 : f32 to vector<512x1xf32>
    %add3A_54 = arith.addf %broadcast_in_dim3A_48, %add3A_53 : vector<512x1xf32>
    %iota3A_55 = tpu.iota {dimensions = array<i32: 0>} : vector<512x16xi32>
    %iota3A_56 = tpu.iota {dimensions = array<i32: 1>} : vector<512x16xi32>
    %jit3A_57 = arith.constant 16 : i32
    %eq3A = arith.constant 0 : i32
    %eq3A_58 = arith.cmpi eq, %jit3A_57, %eq3A : i32
    %jit3A_59 = arith.constant 1 : i32
    %select_n3A_60 = arith.select %eq3A_58, %jit3A_59, %jit3A_57 : i32
    %rem3A = vector.broadcast %select_n3A_60 : i32 to vector<512x16xi32>
    %rem3A_61 = arith.remsi %iota3A_55, %rem3A : vector<512x16xi32>
    %ne3A = arith.constant 0 : i32
    %ne3A_62 = vector.broadcast %ne3A : i32 to vector<512x16xi32>
    %ne3A_63 = arith.cmpi ne, %rem3A_61, %ne3A_62 : vector<512x16xi32>
    %lt3A_64 = arith.constant 0 : i32
    %lt3A_65 = vector.broadcast %lt3A_64 : i32 to vector<512x16xi32>
    %lt3A_66 = arith.cmpi slt, %rem3A_61, %lt3A_65 : vector<512x16xi32>
    %lt3A_67 = arith.constant 0 : i32
    %lt3A_68 = arith.cmpi slt, %select_n3A_60, %lt3A_67 : i32
    %ne3A_69 = vector.broadcast %lt3A_68 : i1 to vector<512x16xi1>
    %ne3A_70 = vector.broadcast %ne3A_69 : vector<512x16xi1> to vector<512x16xi1>
    %ne3A_71 = arith.xori %lt3A_66, %ne3A_70 : vector<512x16xi1>
    %and3A = arith.andi %ne3A_71, %ne3A_63 : vector<512x16xi1>
    %add3A_72 = vector.broadcast %select_n3A_60 : i32 to vector<512x16xi32>
    %add3A_73 = arith.addi %rem3A_61, %add3A_72 : vector<512x16xi32>
    %select_n3A_74 = arith.select %and3A, %add3A_73, %rem3A_61 : vector<512x16xi1>, vector<512x16xi32>
    %eq3A_75 = arith.cmpi eq, %select_n3A_74, %iota3A_56 : vector<512x16xi32>
    %jit3A_76 = arith.constant 1.000000e+00 : f32
    %jit3A_77 = arith.constant 0.000000e+00 : f32
    %broadcast_in_dim3A_78 = vector.broadcast %jit3A_76 : f32 to vector<512x16xf32>
    %broadcast_in_dim3A_79 = vector.broadcast %jit3A_77 : f32 to vector<512x16xf32>
    %select_n3A_80 = arith.select %eq3A_75, %broadcast_in_dim3A_78, %broadcast_in_dim3A_79 : vector<512x16xi1>, vector<512x16xf32>
    %dot_general3A_81 = arith.constant dense<0.000000e+00> : vector<512x16xf32>
    %dot_general3A_82 = tpu.matmul %select_n3A, %select_n3A_80, %dot_general3A_81 {dimension_numbers = #tpu.dot_dimension_numbers<[1], [0], [0], [1], [0, 0, 1, 1], [], []>, precision = #tpu.contract_precision<fp32>, transpose_lhs_hint = false} : vector<512x512xf32>, vector<512x16xf32>, vector<512x16xf32> -> vector<512x16xf32>
    %mul3A_83 = arith.mulf %dot_general3A_82, %dot_general3A_82 : vector<512x16xf32>
    %reduce_sum3A_84 = arith.constant dense<0.000000e+00> : vector<512xf32>
    %reduce_sum3A_85 = vector.multi_reduction <add>, %mul3A_83, %reduce_sum3A_84 [1] : vector<512x16xf32> to vector<512xf32>
    %broadcast_in_dim3A_86 = vector.shape_cast %reduce_sum3A_85 : vector<512xf32> to vector<512x1xf32>
    %mul3A_87 = arith.mulf %select_n3A, %select_n3A : vector<512x512xf32>
    %reduce_sum3A_88 = arith.constant dense<0.000000e+00> : vector<512xf32>
    %reduce_sum3A_89 = vector.multi_reduction <add>, %mul3A_87, %reduce_sum3A_88 [1] : vector<512x512xf32> to vector<512xf32>
    %broadcast_in_dim3A_90 = vector.shape_cast %reduce_sum3A_89 : vector<512xf32> to vector<512x1xf32>
    %sub3A = arith.subf %broadcast_in_dim3A_86, %broadcast_in_dim3A_90 : vector<512x1xf32>
    %mul3A_91 = arith.constant 5.000000e-01 : f32
    %mul3A_92 = vector.broadcast %mul3A_91 : f32 to vector<512x1xf32>
    %mul3A_93 = arith.mulf %mul3A_92, %sub3A : vector<512x1xf32>
    %get3A_94 = arith.constant 0 : index
    %get3A_95 = arith.constant 0 : index
    %get3A_96 = arith.constant 0 : index
    %get3A_97 = vector.load %arg3[%get3A_94, %get3A_95, %get3A_96] : memref<4x512x128xf32, #tpu.memory_space<vmem>>, vector<4x512x128xf32>
    %slice3A_98 = vector.extract_strided_slice %get3A_97 {offsets = [0, 0, 0], sizes = [1, 512, 128], strides = [1, 1, 1]} : vector<4x512x128xf32> to vector<1x512x128xf32>
    %squeeze3A_99 = vector.shape_cast %slice3A_98 : vector<1x512x128xf32> to vector<512x128xf32>
    %slice3A_100 = vector.extract_strided_slice %get3A_97 {offsets = [1, 0, 0], sizes = [1, 512, 128], strides = [1, 1, 1]} : vector<4x512x128xf32> to vector<1x512x128xf32>
    %squeeze3A_101 = vector.shape_cast %slice3A_100 : vector<1x512x128xf32> to vector<512x128xf32>
    %slice3A_102 = vector.extract_strided_slice %get3A_97 {offsets = [2, 0, 0], sizes = [1, 512, 128], strides = [1, 1, 1]} : vector<4x512x128xf32> to vector<1x512x128xf32>
    %squeeze3A_103 = vector.shape_cast %slice3A_102 : vector<1x512x128xf32> to vector<512x128xf32>
    %slice3A_104 = vector.extract_strided_slice %get3A_97 {offsets = [3, 0, 0], sizes = [1, 512, 128], strides = [1, 1, 1]} : vector<4x512x128xf32> to vector<1x512x128xf32>
    %squeeze3A_105 = vector.shape_cast %slice3A_104 : vector<1x512x128xf32> to vector<512x128xf32>
    %concatenate3A_106 = tpu.concatenate %squeeze3A_99, %squeeze3A_101, %squeeze3A_103, %squeeze3A_105 in 1 : vector<512x128xf32>, vector<512x128xf32>, vector<512x128xf32>, vector<512x128xf32> -> vector<512x512xf32>
    %jit3A_107 = arith.constant 0.000000e+00 : f32
    %broadcast_in_dim3A_108 = vector.broadcast %jit3A_107 : f32 to vector<512x512xf32>
    %select_n3A_109 = arith.select %lt3A_1, %concatenate3A_106, %broadcast_in_dim3A_108 : vector<512x512xi1>, vector<512x512xf32>
    %iota3A_110 = tpu.iota {dimensions = array<i32: 0>} : vector<26x512xi32>
    %iota3A_111 = tpu.iota {dimensions = array<i32: 1>} : vector<26x512xi32>
    %jit3A_112 = arith.constant 16 : i32
    %div3A = vector.broadcast %jit3A_112 : i32 to vector<26x512xi32>
    %div3A_113 = arith.divsi %iota3A_111, %div3A : vector<26x512xi32>
    %sign3A = arith.constant 0 : i32
    %sign3A_114 = vector.broadcast %sign3A : i32 to vector<26x512xi32>
    %sign3A_115 = arith.cmpi sgt, %iota3A_111, %sign3A_114 : vector<26x512xi32>
    %sign3A_116 = arith.extui %sign3A_115 : vector<26x512xi1> to vector<26x512xi32>
    %sign3A_117 = arith.constant 0 : i32
    %sign3A_118 = vector.broadcast %sign3A_117 : i32 to vector<26x512xi32>
    %sign3A_119 = arith.cmpi slt, %iota3A_111, %sign3A_118 : vector<26x512xi32>
    %sign3A_120 = arith.extui %sign3A_119 : vector<26x512xi1> to vector<26x512xi32>
    %sign3A_121 = arith.subi %sign3A_116, %sign3A_120 : vector<26x512xi32>
    %sign3A_122 = arith.constant 0 : i32
    %sign3A_123 = arith.cmpi sgt, %jit3A_112, %sign3A_122 : i32
    %sign3A_124 = arith.extui %sign3A_123 : i1 to i32
    %sign3A_125 = arith.constant 0 : i32
    %sign3A_126 = arith.cmpi slt, %jit3A_112, %sign3A_125 : i32
    %sign3A_127 = arith.extui %sign3A_126 : i1 to i32
    %sign3A_128 = arith.subi %sign3A_124, %sign3A_127 : i32
    %ne3A_129 = vector.broadcast %sign3A_128 : i32 to vector<26x512xi32>
    %ne3A_130 = arith.cmpi ne, %sign3A_121, %ne3A_129 : vector<26x512xi32>
    %rem3A_131 = vector.broadcast %jit3A_112 : i32 to vector<26x512xi32>
    %rem3A_132 = arith.remsi %iota3A_111, %rem3A_131 : vector<26x512xi32>
    %ne3A_133 = arith.constant 0 : i32
    %ne3A_134 = vector.broadcast %ne3A_133 : i32 to vector<26x512xi32>
    %ne3A_135 = arith.cmpi ne, %rem3A_132, %ne3A_134 : vector<26x512xi32>
    %and3A_136 = arith.andi %ne3A_130, %ne3A_135 : vector<26x512xi1>
    %sub3A_137 = arith.constant 1 : i32
    %sub3A_138 = vector.broadcast %sub3A_137 : i32 to vector<26x512xi32>
    %sub3A_139 = arith.subi %div3A_113, %sub3A_138 : vector<26x512xi32>
    %select_n3A_140 = arith.select %and3A_136, %sub3A_139, %div3A_113 : vector<26x512xi1>, vector<26x512xi32>
    %eq3A_141 = arith.cmpi eq, %select_n3A_140, %iota3A_110 : vector<26x512xi32>
    %jit3A_142 = arith.constant 1.000000e+00 : f32
    %jit3A_143 = arith.constant 0.000000e+00 : f32
    %broadcast_in_dim3A_144 = vector.broadcast %jit3A_142 : f32 to vector<26x512xf32>
    %broadcast_in_dim3A_145 = vector.broadcast %jit3A_143 : f32 to vector<26x512xf32>
    %select_n3A_146 = arith.select %eq3A_141, %broadcast_in_dim3A_144, %broadcast_in_dim3A_145 : vector<26x512xi1>, vector<26x512xf32>
    %get3A_147 = arith.constant 0 : index
    %get3A_148 = arith.constant 0 : index
    %get3A_149 = vector.load %arg4[%get3A_147, %get3A_148] : memref<512x26xf32, #tpu.memory_space<vmem>>, vector<512x26xf32>
    %dot_general3A_150 = arith.constant dense<0.000000e+00> : vector<512x512xf32>
    %dot_general3A_151 = tpu.matmul %get3A_149, %select_n3A_146, %dot_general3A_150 {dimension_numbers = #tpu.dot_dimension_numbers<[1], [0], [0], [1], [0, 0, 1, 1], [], []>, precision = #tpu.contract_precision<fp32>, transpose_lhs_hint = false} : vector<512x26xf32>, vector<26x512xf32>, vector<512x512xf32> -> vector<512x512xf32>
    %jit3A_152 = arith.constant 16 : i32
    %eq3A_153 = arith.constant 0 : i32
    %eq3A_154 = arith.cmpi eq, %jit3A_152, %eq3A_153 : i32
    %jit3A_155 = arith.constant 1 : i32
    %select_n3A_156 = arith.select %eq3A_154, %jit3A_155, %jit3A_152 : i32
    %rem3A_157 = vector.broadcast %select_n3A_156 : i32 to vector<512x512xi32>
    %rem3A_158 = arith.remsi %iota3A, %rem3A_157 : vector<512x512xi32>
    %ne3A_159 = arith.constant 0 : i32
    %ne3A_160 = vector.broadcast %ne3A_159 : i32 to vector<512x512xi32>
    %ne3A_161 = arith.cmpi ne, %rem3A_158, %ne3A_160 : vector<512x512xi32>
    %lt3A_162 = arith.constant 0 : i32
    %lt3A_163 = vector.broadcast %lt3A_162 : i32 to vector<512x512xi32>
    %lt3A_164 = arith.cmpi slt, %rem3A_158, %lt3A_163 : vector<512x512xi32>
    %lt3A_165 = arith.constant 0 : i32
    %lt3A_166 = arith.cmpi slt, %select_n3A_156, %lt3A_165 : i32
    %ne3A_167 = vector.broadcast %lt3A_166 : i1 to vector<512x512xi1>
    %ne3A_168 = vector.broadcast %ne3A_167 : vector<512x512xi1> to vector<512x512xi1>
    %ne3A_169 = arith.xori %lt3A_164, %ne3A_168 : vector<512x512xi1>
    %and3A_170 = arith.andi %ne3A_169, %ne3A_161 : vector<512x512xi1>
    %add3A_171 = vector.broadcast %select_n3A_156 : i32 to vector<512x512xi32>
    %add3A_172 = arith.addi %rem3A_158, %add3A_171 : vector<512x512xi32>
    %select_n3A_173 = arith.select %and3A_170, %add3A_172, %rem3A_158 : vector<512x512xi1>, vector<512x512xi32>
    %convert_element_type3A = arith.sitofp %select_n3A_173 : vector<512x512xi32> to vector<512x512xf32>
    %eq3A_174 = arith.cmpf oeq, %dot_general3A_151, %convert_element_type3A : vector<512x512xf32>
    %and3A_175 = arith.andi %eq3A_174, %lt3A_1 : vector<512x512xi1>
    %jit3A_176 = arith.constant 1.000000e+00 : f32
    %jit3A_177 = arith.constant 0.000000e+00 : f32
    %broadcast_in_dim3A_178 = vector.broadcast %jit3A_176 : f32 to vector<512x512xf32>
    %broadcast_in_dim3A_179 = vector.broadcast %jit3A_177 : f32 to vector<512x512xf32>
    %select_n3A_180 = arith.select %and3A_175, %broadcast_in_dim3A_178, %broadcast_in_dim3A_179 : vector<512x512xi1>, vector<512x512xf32>
    %mul3A_181 = arith.mulf %select_n3A_109, %select_n3A_180 : vector<512x512xf32>
    %reduce_sum3A_182 = arith.constant dense<0.000000e+00> : vector<512xf32>
    %reduce_sum3A_183 = vector.multi_reduction <add>, %mul3A_181, %reduce_sum3A_182 [1] : vector<512x512xf32> to vector<512xf32>
    %broadcast_in_dim3A_184 = vector.shape_cast %reduce_sum3A_183 : vector<512xf32> to vector<512x1xf32>
    %get3A_185 = arith.constant 0 : index
    %get3A_186 = arith.constant 0 : index
    %get3A_187 = vector.load %arg13[%get3A_185, %get3A_186] : memref<1x1xf32, #tpu.memory_space<vmem>>, vector<1x1xf32>
    %get3A_188 = vector.extract %get3A_187[0, 0] : f32 from vector<1x1xf32>
    %add3A_189 = vector.broadcast %get3A_188 : f32 to vector<512x1xf32>
    %add3A_190 = arith.addf %add3A_189, %broadcast_in_dim3A_184 : vector<512x1xf32>
    %get3A_191 = arith.constant 0 : index
    %get3A_192 = arith.constant 0 : index
    %get3A_193 = vector.load %arg12[%get3A_191, %get3A_192] : memref<1x13xf32, #tpu.memory_space<vmem>>, vector<1x13xf32>
    %mul3A_194 = vector.broadcast %get3A_193 : vector<1x13xf32> to vector<512x13xf32>
    %mul3A_195 = arith.mulf %get3A_13, %mul3A_194 : vector<512x13xf32>
    %reduce_sum3A_196 = arith.constant dense<0.000000e+00> : vector<512xf32>
    %reduce_sum3A_197 = vector.multi_reduction <add>, %mul3A_195, %reduce_sum3A_196 [1] : vector<512x13xf32> to vector<512xf32>
    %broadcast_in_dim3A_198 = vector.shape_cast %reduce_sum3A_197 : vector<512xf32> to vector<512x1xf32>
    %add3A_199 = arith.addf %add3A_190, %broadcast_in_dim3A_198 : vector<512x1xf32>
    %add3A_200 = arith.addf %add3A_54, %mul3A_93 : vector<512x1xf32>
    %add3A_201 = arith.addf %add3A_200, %add3A_199 : vector<512x1xf32>
    %swap3A = arith.constant 0 : index
    %swap3A_202 = arith.constant 0 : index
    %swap3A_203 = vector.load %arg14[%swap3A, %swap3A_202] : memref<512x1xf32, #tpu.memory_space<vmem>>, vector<512x1xf32>
    tpu.vector_store %arg14[%swap3A, %swap3A_202], %add3A_201 {strides = array<i32>} : memref<512x1xf32, #tpu.memory_space<vmem>>, vector<512x1xf32>,
    return
  }
  func.func @transform_0(%arg0: i32) -> (i32, i32, i32) {
    %c0_i32 = arith.constant 0 : i32
    %c0_i32_0 = arith.constant 0 : i32
    %c0_i32_1 = arith.constant 0 : i32
    return %c0_i32, %arg0, %c0_i32_0 : i32, i32, i32
  }
  func.func @transform_1(%arg0: i32) -> (i32, i32) {
    %c0_i32 = arith.constant 0 : i32
    %c0_i32_0 = arith.constant 0 : i32
    return %arg0, %c0_i32 : i32, i32
  }
  func.func @transform_2(%arg0: i32) -> (i32, i32, i32) {
    %c0_i32 = arith.constant 0 : i32
    %c0_i32_0 = arith.constant 0 : i32
    %c0_i32_1 = arith.constant 0 : i32
    return %c0_i32, %arg0, %c0_i32_0 : i32, i32, i32
  }
  func.func @transform_3(%arg0: i32) -> (i32, i32) {
    %c0_i32 = arith.constant 0 : i32
    %c0_i32_0 = arith.constant 0 : i32
    return %arg0, %c0_i32 : i32, i32
  }
  func.func @transform_4(%arg0: i32) -> (i32, i32) {
    %c0_i32 = arith.constant 0 : i32
    %c0_i32_0 = arith.constant 0 : i32
    %c0_i32_1 = arith.constant 0 : i32
    return %c0_i32, %c0_i32_0 : i32, i32
  }
  func.func @transform_5(%arg0: i32) -> (i32, i32) {
    %c0_i32 = arith.constant 0 : i32
    %c0_i32_0 = arith.constant 0 : i32
    %c0_i32_1 = arith.constant 0 : i32
    return %c0_i32, %c0_i32_0 : i32, i32
  }
  func.func @transform_6(%arg0: i32) -> (i32, i32) {
    %c0_i32 = arith.constant 0 : i32
    %c0_i32_0 = arith.constant 0 : i32
    %c0_i32_1 = arith.constant 0 : i32
    return %c0_i32, %c0_i32_0 : i32, i32
  }
  func.func @transform_7(%arg0: i32) -> (i32, i32) {
    %c0_i32 = arith.constant 0 : i32
    %c0_i32_0 = arith.constant 0 : i32
    %c0_i32_1 = arith.constant 0 : i32
    return %c0_i32, %c0_i32_0 : i32, i32
  }
  func.func @transform_8(%arg0: i32) -> (i32, i32) {
    %c0_i32 = arith.constant 0 : i32
    %c0_i32_0 = arith.constant 0 : i32
    %c0_i32_1 = arith.constant 0 : i32
    return %c0_i32, %c0_i32_0 : i32, i32
  }
  func.func @transform_9(%arg0: i32) -> (i32, i32) {
    %c0_i32 = arith.constant 0 : i32
    %c0_i32_0 = arith.constant 0 : i32
    %c0_i32_1 = arith.constant 0 : i32
    return %c0_i32, %c0_i32_0 : i32, i32
  }
  func.func @transform_10(%arg0: i32) -> (i32, i32) {
    %c0_i32 = arith.constant 0 : i32
    %c0_i32_0 = arith.constant 0 : i32
    %c0_i32_1 = arith.constant 0 : i32
    return %c0_i32, %c0_i32_0 : i32, i32
  }
  func.func @transform_11(%arg0: i32) -> (i32, i32) {
    %c0_i32 = arith.constant 0 : i32
    %c0_i32_0 = arith.constant 0 : i32
    %c0_i32_1 = arith.constant 0 : i32
    return %c0_i32, %c0_i32_0 : i32, i32
  }
  func.func @transform_12(%arg0: i32) -> (i32, i32) {
    %c0_i32 = arith.constant 0 : i32
    %c0_i32_0 = arith.constant 0 : i32
    %c0_i32_1 = arith.constant 0 : i32
    return %c0_i32, %c0_i32_0 : i32, i32
  }
  func.func @transform_13(%arg0: i32) -> (i32, i32) {
    %c0_i32 = arith.constant 0 : i32
    %c0_i32_0 = arith.constant 0 : i32
    return %arg0, %c0_i32 : i32, i32
  }
}

</mosaic_0001>

<sc_bundles>
// kernel: kernel.4.cloned.1.call-start
scs
__scs_entry_jumppad:
0x0: {  	(pc) =	sbr.rel $0x88, $3  }
0x1: {  	(tag) =	ssettag $0x0;
	lr =	simm.s32 $0x1  }
0x2: {  	[smem:$0x3F95] =	sst lr;
	_ =	strace $0xD0000000  }
0x3: {  	_ = 	snop  }
0x4: {  	_ = 	snop  }
0x5: {  	_ = 	snop  }
0x6: {  	_ = 	snop  }
0x7: {  	_ = 	snop  }
__scs_overlays_trampoline_lowered:
0x8: {  	[smem:$0x3FA4] =	sst s0  }
0x9: {  	[smem:$0x3FA5] =	sst s1  }
0xa: {  	[smem:$0x3FA6] =	sst s2  }
0xb: {  	[smem:$0x3FA7] =	sst s3  }
0xc: {  	[smem:$0x3FA8] =	sst s4  }
0xd: {  	[smem:$0x3FA9] =	sst s5  }
0xe: {  	[smem:$0x3FAA] =	sst s6  }
0xf: {  	[smem:$0x3FAB] =	sst s7  }
0x10: {  	[smem:$0x3FAC] =	sst s8  }
0x11: {  	[smem:$0x3FAD] =	sst s9;
	s0 =	simm.s32 @!p0 $0x0  }
0x12: {  	s1 =	sld [smem:$0x3F93];
	s0 =	simm.s32 @p0 $0x1  }
0x13: {  	[smem:$0x3FAE] =	sst s0;
	s0 =	simm.s32 @!p1 $0x0  }
0x14: {  	s2 =	sld [smem:$0x3F92];
	s0 =	simm.s32 @p1 $0x1  }
0x15: {  	[smem:$0x3FAF] =	sst s0;
	s0 =	simm.s32 @!p2 $0x0  }
0x16: {  	s3 =	sld [smem:$0x3FDB];
	s0 =	simm.s32 @p2 $0x1  }
0x17: {  	s4 =	simm.s32 $0x1BF5;
	[smem:$0x3FB1] =	sst s0  }
0x18: {  	s0 =	sld [smem:$0x3F94];
	_ =	swait.ge [sflag:s4], $0x0  }
0x19: {  	s7 =	sld [smem:$0x3F95]  }
0x1a: {  	s8 =	sadd.s32 $0xFFFFE003, lr  }
0x1b: {  	s9 =	sadd.s32 $0xFFFFFEF7, lr;
	s5 =	simm.s32 $0xFFFFFFFF;
	p2 =	slt.u32 s8, $0xFFFFF086  }
0x1c: {  	p1 =	slt.u32 s9, $0xF7A;
	s5 =	simm.s32 @!p2 $0x0  }
0x1d: {  	s5 =	simm.s32 @p1 $0x1;
	p0 =	seq.s32 s7, s2  }
0x1e: {  	s7 =	smul.u32 @!p0 $0xF7A, s2;
	p2 =	seq.s32 @!p0 s5, $0x0  }
0x1f: {  	s9 =	smul.u32 $0xF7A, s1;
	s8 =	simm.s32 @!p0 $0x1BF5;
	p2 =	por !p2, p0  }
0x20: {  	[sflag:s8] =	ssyncset.s32 @!p0 $0xFFFFF086;
	s6 =	sadd.s32 @!p0 s3, s7;
	s7 =	simm.s32 @!p0 $0x108  }
0x21: {  	s3 =	sadd.s32 s3, s9;
	s6 =	sadd.s32 @!p0 $0x88, s6;
	s7 =	simm.s32 @p2 $0x1082  }
0x22: {  	[simem:s7], [sflag:s8] =	dma.local @!p0 [hbm:s6], $0xF7A  }
0x23: {  	s9 =	sor.u32 $0xD0000000, s2;
	s6 =	simm.s32 $0x108;
	_ =	swait.ge @!p0 [sflag:s8], $0x0  }
0x24: {  	s3 =	sadd.s32 $0x88, s3;
	s6 =	simm.s32 @!p1 $0x1082;
	[sflag:s4] =	ssyncset.s32 $0xFFFFF086  }
0x25: {  	[simem:s6], [sflag:s4] =	dma.local [hbm:s3], $0xF7A  }
0x26: {  	[smem:$0x3F95] =	sst s1;
	(tag) =	ssettag s2;
	_ =	strace s9  }
0x27: {  	s1 =	sld [smem:$0x3FA5]  }
0x28: {  	s2 =	sld [smem:$0x3FA6]  }
0x29: {  	s4 =	sld [smem:$0x3FA8]  }
0x2a: {  	p0 =	seq.s32 s5, $0x0;
	s5 =	sld [smem:$0x3FA9]  }
0x2b: {  	s6 =	sld [smem:$0x3FAA]  }
0x2c: {  	s7 =	sld [smem:$0x3FAB]  }
0x2d: {  	s3 =	simm.s32 $0x108;
	s8 =	sld [smem:$0x3FAC]  }
0x2e: {  	s3 =	simm.s32 @!p0 $0x1082;
	s9 =	sld [smem:$0x3FAD]  }
0x2f: {  	lr =	sadd.s32 s0, s3;
	s0 =	sld [smem:$0x3FA4]  }
0x30: {  	s3 =	sld [smem:$0x3FA7]  }
0x31: {  	[smem:$0x3FB0] =	sst s10  }
0x32: {  	s10 =	sld [smem:$0x3FAE];
	_ =	sdelay $0x3  }
0x33: {  	p0 =	seq.s32 s10, $0x1;
	s10 =	sld [smem:$0x3FB0];
	_ =	sdelay $0x3  }
0x34: {  	[smem:$0x3FB0] =	sst s10  }
0x35: {  	s10 =	sld [smem:$0x3FAF];
	_ =	sdelay $0x3  }
0x36: {  	p1 =	seq.s32 s10, $0x1;
	s10 =	sld [smem:$0x3FB0];
	_ =	sdelay $0x3  }
0x37: {  	[smem:$0x3FB0] =	sst s10  }
0x38: {  	s10 =	sld [smem:$0x3FB1]  }
0x39: {  	_ = 	snop;
	(pc) =	sbr.ind lr, $3  }
0x3a: {  	_ = 	snop  }
0x3b: {  	_ = 	snop  }
0x3c: {  	p2 =	seq.s32 s10, $0x1;
	s10 =	sld [smem:$0x3FB0]  }
0x3d: {  	_ =	shalt  }
0x3e: {  	_ =	shalt  }
0x3f: {  	_ =	shalt  }
0x40: {  	_ =	shalt  }
0x41: {  	_ =	shalt  }
0x42: {  	_ =	shalt  }
0x43: {  	_ =	shalt  }
0x44: {  	_ =	shalt  }
0x45: {  	_ =	shalt  }
0x46: {  	_ =	shalt  }
0x47: {  	_ =	shalt  }
0x48: {  	_ =	shalt  }
0x49: {  	_ =	shalt  }
0x4a: {  	_ =	shalt  }
0x4b: {  	_ =	shalt  }
0x4c: {  	_ =	shalt  }
0x4d: {  	_ =	shalt  }
0x4e: {  	_ =	shalt  }
0x4f: {  	_ =	shalt  }
0x50: {  	_ =	shalt  }
0x51: {  	_ =	shalt  }
0x52: {  	_ =	shalt  }
0x53: {  	_ =	shalt  }
0x54: {  	_ =	shalt  }
0x55: {  	_ =	shalt  }
0x56: {  	_ =	shalt  }
0x57: {  	_ =	shalt  }
0x58: {  	_ =	shalt  }
0x59: {  	_ =	shalt  }
0x5a: {  	_ =	shalt  }
0x5b: {  	_ =	shalt  }
0x5c: {  	_ =	shalt  }
0x5d: {  	_ =	shalt  }
0x5e: {  	_ =	shalt  }
0x5f: {  	_ =	shalt  }
0x60: {  	_ =	shalt  }
0x61: {  	_ =	shalt  }
0x62: {  	_ =	shalt  }
0x63: {  	_ =	shalt  }
0x64: {  	_ =	shalt  }
0x65: {  	_ =	shalt  }
0x66: {  	_ =	shalt  }
0x67: {  	_ =	shalt  }
0x68: {  	_ =	shalt  }
0x69: {  	_ =	shalt  }
0x6a: {  	_ =	shalt  }
0x6b: {  	_ =	shalt  }
0x6c: {  	_ =	shalt  }
0x6d: {  	_ =	shalt  }
0x6e: {  	_ =	shalt  }
0x6f: {  	_ =	shalt  }
0x70: {  	_ =	shalt  }
0x71: {  	_ =	shalt  }
0x72: {  	_ =	shalt  }
0x73: {  	_ =	shalt  }
0x74: {  	_ =	shalt  }
0x75: {  	_ =	shalt  }
0x76: {  	_ =	shalt  }
0x77: {  	_ =	shalt  }
0x78: {  	_ =	shalt  }
0x79: {  	_ =	shalt  }
0x7a: {  	_ =	shalt  }
0x7b: {  	_ =	shalt  }
0x7c: {  	_ =	shalt  }
0x7d: {  	_ =	shalt  }
0x7e: {  	_ =	shalt  }
0x7f: {  	_ =	shalt  }
0x80: {  	_ =	shalt  }
0x81: {  	_ =	shalt  }
0x82: {  	_ =	shalt  }
0x83: {  	_ =	shalt  }
0x84: {  	_ =	shalt  }
0x85: {  	_ =	shalt  }
0x86: {  	_ =	shalt  }
0x87: {  	_ =	shalt  }
.Lfunc_end0:
.L_simem_size_0:
called_computation_lowered:
.L_overlay_start_0:
0x88: {  	s2 =	sld [smem:$0x3FD9]  }
0x89: {  	s3 =	sld [smem:$0x3FFE];
	_ =	sdelay $0x1  }
0x8a: {  	s1 =	srdreg.scid  }
0x8b: {  	s0 =	sand.u32 $0x1, s1  }
0x8c: {  	s16 =	sshll.u32 s0, $0xA;
	s2 =	sadd.s32 s3, s2  }
0x8d: {  	s2 =	sadd.s32 s2, s16  }
0x8e: {  	[smem:$0x3FBC] =	sst s2  }
0x8f: {  	_ = 	snop  }
0x90: {  	(tm) =	ssettm $0x1  }
0x91: {  	s17 =	sld [smem:$0x3FFB];
	_ =	sdelay $0x3  }
0x92: {  	_ =	strace s17  }
0x93: {  	s2 =	sld [smem:$0x3FFC];
	_ =	sdelay $0x3  }
0x94: {  	_ =	strace s2  }
0x95: {  	s2 =	sld [smem:$0x3FFD];
	_ =	sdelay $0x3  }
0x96: {  	_ =	strace s2  }
0x97: {  	_ =	strace $0x8FFFFFFF  }
0x98: {  	s18 =	sld [smem:$0x3FDB];
	_ =	sdelay $0x1  }
0x99: {  	s19 =	simm.s32 $_scs_section_size  }
0x9a: {  	s4 =	simm.s32 $_size__tile_overlayer_lowered;
	s5 =	simm.s32 $_tile_overlayer_lowered  }
0x9b: {  	s22 =	simm.s32 $0x1BFF;
	s21 =	sshll.u32 s5, $0x1;
	s2 =	sadd.s32 s19, s18  }
0x9c: {  	s6 =	simm.s32 $0x0;
	s20 =	sshll.u32 s4, $0x1;
	s4 =	sadd.s32 s21, s2  }
0x9d: {  	[timem:s6], [sflag:s22] =	dma.local [hbm:s4], s20  }
0x9e: {  	_ =	swait.ge [sflag:s22], s20  }
0x9f: {  	s3 =	ssub.s32 $0x0, s20;
	[sflag:s22] =	ssyncset.done $0x0  }
0xa0: {  	[sflag:s22] =	ssyncadd.s32 s3;
	_ =	sdelay $0x1  }
0xa1: {  	s23 =	simm.s32 $0x1B8B  }
0xa2: {  	_ =	swait.ge [sflag:s23], $0x1  }
0xa3: {  	[sflag:s23] =	ssyncset.done $0x0  }
0xa4: {  	s25 =	simm.s32 $0x1B8E;
	s24 =	sld [smem:$0x3FFE];
	[sflag:s23] =	ssyncadd.s32 $0xFFFFFFFF  }
0xa5: {  	s26 =	simm.s32 $execute0_lowered;
	[smem:$0x3FD2] =	sst s25  }
0xa6: {  	s4 =	sshll.u32 s26, $0x1;
	_ =	strace $0x80000046;
	[dreg:$0x1] =	wrdreg $0xFFFFFFFF  }
0xa7: {  	s28 =	simm.s32 $_size_execute0_lowered;
	s2 =	sadd.s32 s2, s4;
	[dreg:$0x0] =	wrdreg $0x0  }
0xa8: {  	s4 =	sshll.u32 s28, $0x1;
	[dreg:$0x2] =	wrdreg s2  }
0xa9: {  	[dreg:$0x3] =	wrdreg s4  }
0xaa: {  	[dreg:$0x4] =	wrdreg $0xC0  }
0xab: {  	_ =	task [dreg:s6], $0x5FFFF  }
0xac: {  	[dreg:$0x1] =	wrdreg $0xFFFFFFFF  }
0xad: {  	[dreg:$0x0] =	wrdreg $0x60  }
0xae: {  	[dreg:$0x2] =	wrdreg s24  }
0xaf: {  	[dreg:$0x3] =	wrdreg $0x9  }
0xb0: {  	_ =	task.clear_ibuf [dreg:s6], $0x4FFFF;
	_ =	strace $0x90000046  }
0xb1: {  	s29 =	simm.s32 $0x9;
	_ =	strace $0x80000048  }
0xb2: {  	_ =	swait.ge [sflag:s29], $0x1  }
0xb3: {  	[sflag:s29] =	ssyncadd.s32 $0xFFFFFFFF  }
0xb4: {  	_ =	strace $0x90000048  }
0xb5: {  	_ =	sfence  }
0xb6: {  	s30 =	sld [smem:$0x0];
	_ =	sdelay $0x2  }
0xb7: {  	s31 =	sshll.u32 s1, $0xD;
	s1 =	sshrl.u32 s1, $0x2  }
0xb8: {  	s3 =	sand.u32 $0x4000, s31;
	s1 =	sadd.s32 s1, s30  }
0xb9: {  	s0 =	sor.u32 s3, s0;
	s1 =	sshll.u32 s1, $0x11  }
0xba: {  	s0 =	sor.u32 s1, s0  }
0xbb: {  	s0 =	sadd.s32 $0x8F2B, s0  }
0xbc: {  	[sflag:s0] =	ssyncadd.remote.s32 $0x1  }
0xbd: {  	_ =	sfence.sel $0xFFFF  }
0xbe: {  	[dreg:$0x0] =	wrdreg $0xFFFFFFFF;
	(pc) =	sbr.abs _section_cstart, $3  }
0xbf: {  	[dreg:$0x1] =	wrdreg $0xFFFFFFFF  }
0xc0: {  	_ =	task.clear_ibuf [dreg:s6], $0x2FFFF;
	_ =	strace $0x9FFFFFFF  }
0xc1: {  	(tm) =	ssettm $0x7FFFFFFF  }
tec
execute0_lowered:
.L_overlay_start_1:
0x0: {  	(tag) =	ssettag $0x1  }
0x1: {  	s0 =	srdreg.scid;
	s1 =	stileid.u32  }
0x2: {  	s2 =	rddreg [dreg:$0x0];
	s4 =	simm.s32 $0x0;
	s10 =	simm.s32 $0x2  }
0x3: {  	s11 =	simm.s32 $0x80;
	s12 =	simm.s32 $0x1;
	s13 =	simm.s32 $0x4000  }
0x4: {  	s14 =	simm.s32 $0x80000;
	s17 =	simm.s32 $0xAD00;
	s18 =	simm.s32 $0xA80  }
0x5: {  	s19 =	simm.s32 $0xB500;
	s20 =	simm.s32 $0xB00;
	s21 =	simm.s32 $0xBD00  }
0x6: {  	s22 =	simm.s32 $0xC500;
	s23 =	simm.s32 $0xC00;
	s24 =	simm.s32 $0xCD00  }
0x7: {  	s25 =	simm.s32 $0xC80;
	s26 =	simm.s32 $0xD500;
	s28 =	simm.s32 $0xDD00  }
0x8: {  	s29 =	simm.s32 $0x0;
	s0 =	sand.u32 $0x1, s0;
	s1 =	sshll.u32 s1, $0x1  }
0x9: {  	[smem:$0x7FF] =	sst s4;
	s15 =	sadd.s32 $0x27C1800, s2;
	s1 =	sor.u32 s0, s1  }
0xa: {  	s4 =	sadd.s32 $0x15400, s2;
	s0 =	ssub.s32 $0x2, s0;
	s3 =	smul.u32 $0x1A0, s1  }
0xb: {  	_ =	strace $0x80000047;
	s1 =	sshll.u32 s1, $0xB;
	s31 =	sshrl.u32 s0, $0x1  }
0xc: {  	s1 =	sadd.s32 s1, s2;
	s0 =	ssub.s32 s0, s31;
	s3 =	sadd.s32 s3, s2  }
0xd: {  	s6 =	sadd.s32 $0x67E00, s1;
	s8 =	sadd.s32 $0xA7E00, s1;
	s9 =	smax.u32 s0, $0x1  }
0xe: {  	s2 =	simm.s32 $0xB80;
	s5 =	sadd.s32 $0x64A00, s3;
	s7 =	sadd.s32 $0x12000, s3  }
.LBB2_1:
0xf: {  	s0 =	simm.s32 $0x0  }
0x10: {  	[tilespmem:s0], [sflag:$0x2] =	stream.linear.gather [hbm4b:s5+s0], $0xD00, $0x38;
	[tilespmem:$0x1DD00] =	vst v63  }
0x11: {  	s1 =	simm.s32 $0x200;
	s16 =	simm.s32 $0x0;
	_ =	swait.ge [sflag:s10], $0xD00  }
0x12: {  	s30 =	simm.s32 $0x1500;
	s31 =	sadd.s32 $0x30D40, s15;
	[sflag:s10] =	ssyncset.done $0x0  }
0x13: {  	s3 =	smov.u32 s15;
	s0 =	simm.s32 $0xD00;
	[sflag:s10] =	ssyncadd.s32 $0xFFFFF300  }
.LBB2_2:
0x14: {  	[tilespmem:s0], [sflag:$0x1] =	stream.indirect.gather [hbm4b:s3+s11], $0x10, s16, s11, $0xb8;
	[tilespmem:$0x1DD00] =	vst v63  }
0x15: {  	s16 =	smov.u32 s1  }
0x16: {  	s0 =	smov.u32 s30;
	s3 =	smov.u32 s31;
	p0 =	sne.s32 s1, $0x3200  }
.Ltmp0:
0x17: {  	s1 =	sadd.s32 $0x200, s1;
	(pc) =	sbr.rel @p0 .LBB2_2-.Ltmp0, $2  }
0x18: {  	_ =	sdelay $0x2  }
0x19: {  	s30 =	sadd.s32 $0x800, s30;
	s31 =	sadd.s32 $0x30D40, s31;
	s16 =	sshra.s32 s16, $0x2  }
0x1a: {  	[tilespmem:s0], [sflag:$0x1] =	stream.indirect.gather [hbm4b:s3+s11], $0x10, s16, s11, $0xb8;
	[tilespmem:$0x1DD00] =	vst v63  }
0x1b: {  	_ =	swait.ge [sflag:s12], $0x800  }
0x1c: {  	[sflag:s12] =	ssyncset.done $0x0  }
0x1d: {  	[sflag:s12] =	ssyncadd.s32 $0xFFFFF800  }
0x1e: {  	_ =	swait.ge [sflag:s12], $0x800  }
0x1f: {  	[sflag:s12] =	ssyncset.done $0x0  }
0x20: {  	[sflag:s12] =	ssyncadd.s32 $0xFFFFF800  }
0x21: {  	_ =	swait.ge [sflag:s12], $0x800  }
0x22: {  	[sflag:s12] =	ssyncset.done $0x0  }
0x23: {  	[sflag:s12] =	ssyncadd.s32 $0xFFFFF800  }
0x24: {  	_ =	swait.ge [sflag:s12], $0x800  }
0x25: {  	[sflag:s12] =	ssyncset.done $0x0  }
0x26: {  	[sflag:s12] =	ssyncadd.s32 $0xFFFFF800  }
0x27: {  	_ =	swait.ge [sflag:s12], $0x800  }
0x28: {  	[sflag:s12] =	ssyncset.done $0x0  }
0x29: {  	[sflag:s12] =	ssyncadd.s32 $0xFFFFF800  }
0x2a: {  	_ =	swait.ge [sflag:s12], $0x800  }
0x2b: {  	[sflag:s12] =	ssyncset.done $0x0  }
0x2c: {  	[sflag:s12] =	ssyncadd.s32 $0xFFFFF800  }
0x2d: {  	_ =	swait.ge [sflag:s12], $0x800  }
0x2e: {  	[sflag:s12] =	ssyncset.done $0x0  }
0x2f: {  	[sflag:s12] =	ssyncadd.s32 $0xFFFFF800  }
0x30: {  	_ =	swait.ge [sflag:s12], $0x800  }
0x31: {  	[sflag:s12] =	ssyncset.done $0x0  }
0x32: {  	[sflag:s12] =	ssyncadd.s32 $0xFFFFF800  }
0x33: {  	_ =	swait.ge [sflag:s12], $0x800  }
0x34: {  	[sflag:s12] =	ssyncset.done $0x0  }
0x35: {  	[sflag:s12] =	ssyncadd.s32 $0xFFFFF800  }
0x36: {  	_ =	swait.ge [sflag:s12], $0x800  }
0x37: {  	[sflag:s12] =	ssyncset.done $0x0  }
0x38: {  	[sflag:s12] =	ssyncadd.s32 $0xFFFFF800  }
0x39: {  	_ =	swait.ge [sflag:s12], $0x800  }
0x3a: {  	[sflag:s12] =	ssyncset.done $0x0  }
0x3b: {  	[sflag:s12] =	ssyncadd.s32 $0xFFFFF800  }
0x3c: {  	_ =	swait.ge [sflag:s12], $0x800  }
0x3d: {  	[sflag:s12] =	ssyncset.done $0x0  }
0x3e: {  	[sflag:s12] =	ssyncadd.s32 $0xFFFFF800  }
0x3f: {  	_ =	swait.ge [sflag:s12], $0x800  }
0x40: {  	[sflag:s12] =	ssyncset.done $0x0  }
0x41: {  	[sflag:s12] =	ssyncadd.s32 $0xFFFFF800  }
0x42: {  	_ =	swait.ge [sflag:s12], $0x800  }
0x43: {  	[sflag:s12] =	ssyncset.done $0x0  }
0x44: {  	[sflag:s12] =	ssyncadd.s32 $0xFFFFF800  }
0x45: {  	_ =	swait.ge [sflag:s12], $0x800  }
0x46: {  	[sflag:s12] =	ssyncset.done $0x0  }
0x47: {  	[sflag:s12] =	ssyncadd.s32 $0xFFFFF800  }
0x48: {  	_ =	swait.ge [sflag:s12], $0x800  }
0x49: {  	[sflag:s12] =	ssyncset.done $0x0  }
0x4a: {  	[sflag:s12] =	ssyncadd.s32 $0xFFFFF800  }
0x4b: {  	_ =	swait.ge [sflag:s12], $0x800  }
0x4c: {  	[sflag:s12] =	ssyncset.done $0x0  }
0x4d: {  	[sflag:s12] =	ssyncadd.s32 $0xFFFFF800  }
0x4e: {  	_ =	swait.ge [sflag:s12], $0x800  }
0x4f: {  	[sflag:s12] =	ssyncset.done $0x0  }
0x50: {  	[sflag:s12] =	ssyncadd.s32 $0xFFFFF800  }
0x51: {  	_ =	swait.ge [sflag:s12], $0x800  }
0x52: {  	[sflag:s12] =	ssyncset.done $0x0  }
0x53: {  	[sflag:s12] =	ssyncadd.s32 $0xFFFFF800  }
0x54: {  	_ =	swait.ge [sflag:s12], $0x800  }
0x55: {  	[sflag:s12] =	ssyncset.done $0x0  }
0x56: {  	[sflag:s12] =	ssyncadd.s32 $0xFFFFF800  }
0x57: {  	_ =	swait.ge [sflag:s12], $0x800  }
0x58: {  	[sflag:s12] =	ssyncset.done $0x0  }
0x59: {  	[sflag:s12] =	ssyncadd.s32 $0xFFFFF800  }
0x5a: {  	_ =	swait.ge [sflag:s12], $0x800  }
0x5b: {  	[sflag:s12] =	ssyncset.done $0x0  }
0x5c: {  	[sflag:s12] =	ssyncadd.s32 $0xFFFFF800  }
0x5d: {  	_ =	swait.ge [sflag:s12], $0x800  }
0x5e: {  	[sflag:s12] =	ssyncset.done $0x0  }
0x5f: {  	[sflag:s12] =	ssyncadd.s32 $0xFFFFF800  }
0x60: {  	_ =	swait.ge [sflag:s12], $0x800  }
0x61: {  	[sflag:s12] =	ssyncset.done $0x0  }
0x62: {  	[sflag:s12] =	ssyncadd.s32 $0xFFFFF800  }
0x63: {  	_ =	swait.ge [sflag:s12], $0x800  }
0x64: {  	[sflag:s12] =	ssyncset.done $0x0  }
0x65: {  	[sflag:s12] =	ssyncadd.s32 $0xFFFFF800  }
0x66: {  	_ =	swait.ge [sflag:s12], $0x800  }
0x67: {  	[sflag:s12] =	ssyncset.done $0x0  }
0x68: {  	s16 =	simm.s32 $0x0;
	[sflag:s12] =	ssyncadd.s32 $0xFFFFF800  }
0x69: {  	v0 =	vld [tilespmem:s16+$0xD00];
	_ =	sdelay $0x3  }
0x6a: {  	s30 =	simm.s32 $0xDD00  }
0x6b: {  	[tilespmem:s30+$0x0] =	vst v0  }
0x6c: {  	v0 =	vld [tilespmem:s16+$0x1500];
	_ =	sdelay $0x4  }
0x6d: {  	[tilespmem:s30+$0x10] =	vst v0  }
0x6e: {  	v0 =	vld [tilespmem:s16+$0x1D00];
	_ =	sdelay $0x4  }
0x6f: {  	[tilespmem:s30+$0x20] =	vst v0  }
0x70: {  	v0 =	vld [tilespmem:s16+$0x2500];
	_ =	sdelay $0x4  }
0x71: {  	[tilespmem:s30+$0x30] =	vst v0  }
0x72: {  	v0 =	vld [tilespmem:s16+$0x2D00];
	_ =	sdelay $0x4  }
0x73: {  	[tilespmem:s30+$0x40] =	vst v0  }
0x74: {  	v0 =	vld [tilespmem:s16+$0x3500];
	_ =	sdelay $0x4  }
0x75: {  	[tilespmem:s30+$0x50] =	vst v0  }
0x76: {  	v0 =	vld [tilespmem:s16+$0x3D00];
	_ =	sdelay $0x4  }
0x77: {  	[tilespmem:s30+$0x60] =	vst v0  }
0x78: {  	v0 =	vld [tilespmem:s16+$0x4500];
	_ =	sdelay $0x4  }
0x79: {  	[tilespmem:s30+$0x70] =	vst v0  }
0x7a: {  	v0 =	vld [tilespmem:s16+$0x4D00];
	_ =	sdelay $0x4  }
0x7b: {  	[tilespmem:s30+$0x4000] =	vst v0  }
0x7c: {  	v0 =	vld [tilespmem:s16+$0x5500];
	_ =	sdelay $0x4  }
0x7d: {  	[tilespmem:s30+$0x4010] =	vst v0  }
0x7e: {  	v0 =	vld [tilespmem:s16+$0x5D00];
	_ =	sdelay $0x4  }
0x7f: {  	[tilespmem:s30+$0x4020] =	vst v0  }
0x80: {  	v0 =	vld [tilespmem:s16+$0x6500];
	_ =	sdelay $0x4  }
0x81: {  	[tilespmem:s30+$0x4030] =	vst v0  }
0x82: {  	v0 =	vld [tilespmem:s16+$0x6D00];
	_ =	sdelay $0x4  }
0x83: {  	[tilespmem:s30+$0x4040] =	vst v0  }
0x84: {  	v0 =	vld [tilespmem:s16+$0x7500];
	_ =	sdelay $0x4  }
0x85: {  	[tilespmem:s30+$0x4050] =	vst v0  }
0x86: {  	v0 =	vld [tilespmem:s16+$0x7D00];
	_ =	sdelay $0x4  }
0x87: {  	[tilespmem:s30+$0x4060] =	vst v0  }
0x88: {  	v0 =	vld [tilespmem:s16+$0x8500];
	_ =	sdelay $0x4  }
0x89: {  	[tilespmem:s30+$0x4070] =	vst v0  }
0x8a: {  	v0 =	vld [tilespmem:s16+$0x8D00];
	_ =	sdelay $0x4  }
0x8b: {  	[tilespmem:s30+$0x8000] =	vst v0  }
0x8c: {  	v0 =	vld [tilespmem:s16+$0x9500];
	_ =	sdelay $0x4  }
0x8d: {  	[tilespmem:s30+$0x8010] =	vst v0  }
0x8e: {  	v0 =	vld [tilespmem:s16+$0x9D00];
	_ =	sdelay $0x4  }
0x8f: {  	[tilespmem:s30+$0x8020] =	vst v0  }
0x90: {  	v0 =	vld [tilespmem:s16+$0xA500];
	_ =	sdelay $0x4  }
0x91: {  	[tilespmem:s30+$0x8030] =	vst v0  }
0x92: {  	v0 =	vld [tilespmem:s16+$0xAD00];
	_ =	sdelay $0x4  }
0x93: {  	[tilespmem:s30+$0x8040] =	vst v0  }
0x94: {  	v0 =	vld [tilespmem:s16+$0xB500];
	_ =	sdelay $0x4  }
0x95: {  	[tilespmem:s30+$0x8050] =	vst v0  }
0x96: {  	v0 =	vld [tilespmem:s16+$0xBD00];
	_ =	sdelay $0x4  }
0x97: {  	[tilespmem:s30+$0x8060] =	vst v0  }
0x98: {  	v0 =	vld [tilespmem:s16+$0xC500];
	_ =	sdelay $0x4  }
0x99: {  	[tilespmem:s30+$0x8070] =	vst v0  }
0x9a: {  	v0 =	vld [tilespmem:s16+$0xCD00];
	_ =	sdelay $0x4  }
0x9b: {  	[tilespmem:s30+$0xC000] =	vst v0  }
0x9c: {  	v0 =	vld [tilespmem:s16+$0xD500];
	_ =	sdelay $0x4  }
0x9d: {  	s31 =	simm.s32 $0x10;
	s1 =	simm.s32 $0x80;
	[tilespmem:s30+$0xC010] =	vst v0  }
.LBB2_4:
0x9e: {  	p0 =	sne.s32 s1, $0x1FC0;
	v0 =	vld [tilespmem:s31+$0xD00];
	_ =	sdelay $0x3  }
0x9f: {  	s30 =	sadd.s32 $0x80, s30  }
0xa0: {  	[tilespmem:s30+$0x0] =	vst v0  }
0xa1: {  	v0 =	vld [tilespmem:s31+$0x1500];
	_ =	sdelay $0x4  }
0xa2: {  	[tilespmem:s30+$0x10] =	vst v0  }
0xa3: {  	v0 =	vld [tilespmem:s31+$0x1D00];
	_ =	sdelay $0x4  }
0xa4: {  	[tilespmem:s30+$0x20] =	vst v0  }
0xa5: {  	v0 =	vld [tilespmem:s31+$0x2500];
	_ =	sdelay $0x4  }
0xa6: {  	[tilespmem:s30+$0x30] =	vst v0  }
0xa7: {  	v0 =	vld [tilespmem:s31+$0x2D00];
	_ =	sdelay $0x4  }
0xa8: {  	[tilespmem:s30+$0x40] =	vst v0  }
0xa9: {  	v0 =	vld [tilespmem:s31+$0x3500];
	_ =	sdelay $0x4  }
0xaa: {  	[tilespmem:s30+$0x50] =	vst v0  }
0xab: {  	v0 =	vld [tilespmem:s31+$0x3D00];
	_ =	sdelay $0x4  }
0xac: {  	[tilespmem:s30+$0x60] =	vst v0  }
0xad: {  	v0 =	vld [tilespmem:s31+$0x4500];
	_ =	sdelay $0x4  }
0xae: {  	[tilespmem:s30+$0x70] =	vst v0  }
0xaf: {  	v0 =	vld [tilespmem:s31+$0x4D00];
	_ =	sdelay $0x4  }
0xb0: {  	[tilespmem:s30+$0x4000] =	vst v0  }
0xb1: {  	v0 =	vld [tilespmem:s31+$0x5500];
	_ =	sdelay $0x4  }
0xb2: {  	[tilespmem:s30+$0x4010] =	vst v0  }
0xb3: {  	v0 =	vld [tilespmem:s31+$0x5D00];
	_ =	sdelay $0x4  }
0xb4: {  	[tilespmem:s30+$0x4020] =	vst v0  }
0xb5: {  	v0 =	vld [tilespmem:s31+$0x6500];
	_ =	sdelay $0x4  }
0xb6: {  	[tilespmem:s30+$0x4030] =	vst v0  }
0xb7: {  	v0 =	vld [tilespmem:s31+$0x6D00];
	_ =	sdelay $0x4  }
0xb8: {  	[tilespmem:s30+$0x4040] =	vst v0  }
0xb9: {  	v0 =	vld [tilespmem:s31+$0x7500];
	_ =	sdelay $0x4  }
0xba: {  	[tilespmem:s30+$0x4050] =	vst v0  }
0xbb: {  	v0 =	vld [tilespmem:s31+$0x7D00];
	_ =	sdelay $0x4  }
0xbc: {  	[tilespmem:s30+$0x4060] =	vst v0  }
0xbd: {  	v0 =	vld [tilespmem:s31+$0x8500];
	_ =	sdelay $0x4  }
0xbe: {  	[tilespmem:s30+$0x4070] =	vst v0  }
0xbf: {  	v0 =	vld [tilespmem:s31+$0x8D00];
	_ =	sdelay $0x4  }
0xc0: {  	[tilespmem:s30+$0x8000] =	vst v0  }
0xc1: {  	v0 =	vld [tilespmem:s31+$0x9500];
	_ =	sdelay $0x4  }
0xc2: {  	[tilespmem:s30+$0x8010] =	vst v0  }
0xc3: {  	v0 =	vld [tilespmem:s31+$0x9D00];
	_ =	sdelay $0x4  }
0xc4: {  	[tilespmem:s30+$0x8020] =	vst v0  }
0xc5: {  	v0 =	vld [tilespmem:s31+$0xA500];
	_ =	sdelay $0x4  }
0xc6: {  	[tilespmem:s30+$0x8030] =	vst v0  }
0xc7: {  	v0 =	vld [tilespmem:s31+$0xAD00];
	_ =	sdelay $0x4  }
0xc8: {  	[tilespmem:s30+$0x8040] =	vst v0  }
0xc9: {  	v0 =	vld [tilespmem:s31+$0xB500];
	_ =	sdelay $0x4  }
0xca: {  	[tilespmem:s30+$0x8050] =	vst v0  }
0xcb: {  	v0 =	vld [tilespmem:s31+$0xBD00];
	_ =	sdelay $0x4  }
0xcc: {  	[tilespmem:s30+$0x8060] =	vst v0  }
0xcd: {  	v0 =	vld [tilespmem:s31+$0xC500];
	_ =	sdelay $0x4  }
0xce: {  	[tilespmem:s30+$0x8070] =	vst v0  }
0xcf: {  	v0 =	vld [tilespmem:s31+$0xCD00];
	_ =	sdelay $0x4  }
0xd0: {  	[tilespmem:s30+$0xC000] =	vst v0  }
0xd1: {  	v0 =	vld [tilespmem:s31+$0xD500]  }
.Ltmp1:
0xd2: {  	(pc) =	sbr.rel @p0 .LBB2_4-.Ltmp1, $2  }
0xd3: {  	_ =	sdelay $0x2  }
0xd4: {  	s31 =	sshra.s32 s1, $0x2;
	s1 =	sadd.s32 $0x40, s1;
	[tilespmem:s30+$0xC010] =	vst v0  }
0xd5: {  	v0 =	vld [tilespmem:s31+$0xD00];
	_ =	sdelay $0x3  }
0xd6: {  	s0 =	sadd.s32 $0x80, s30  }
0xd7: {  	[tilespmem:s0+$0x0] =	vst v0  }
0xd8: {  	v0 =	vld [tilespmem:s31+$0x1500];
	_ =	sdelay $0x4  }
0xd9: {  	[tilespmem:s0+$0x10] =	vst v0  }
0xda: {  	v0 =	vld [tilespmem:s31+$0x1D00];
	_ =	sdelay $0x4  }
0xdb: {  	[tilespmem:s0+$0x20] =	vst v0  }
0xdc: {  	v0 =	vld [tilespmem:s31+$0x2500];
	_ =	sdelay $0x4  }
0xdd: {  	[tilespmem:s0+$0x30] =	vst v0  }
0xde: {  	v0 =	vld [tilespmem:s31+$0x2D00];
	_ =	sdelay $0x4  }
0xdf: {  	[tilespmem:s0+$0x40] =	vst v0  }
0xe0: {  	v0 =	vld [tilespmem:s31+$0x3500];
	_ =	sdelay $0x4  }
0xe1: {  	[tilespmem:s0+$0x50] =	vst v0  }
0xe2: {  	v0 =	vld [tilespmem:s31+$0x3D00];
	_ =	sdelay $0x4  }
0xe3: {  	[tilespmem:s0+$0x60] =	vst v0  }
0xe4: {  	v0 =	vld [tilespmem:s31+$0x4500];
	_ =	sdelay $0x4  }
0xe5: {  	[tilespmem:s0+$0x70] =	vst v0  }
0xe6: {  	v0 =	vld [tilespmem:s31+$0x4D00];
	_ =	sdelay $0x4  }
0xe7: {  	[tilespmem:s0+$0x4000] =	vst v0  }
0xe8: {  	v0 =	vld [tilespmem:s31+$0x5500];
	_ =	sdelay $0x4  }
0xe9: {  	[tilespmem:s0+$0x4010] =	vst v0  }
0xea: {  	v0 =	vld [tilespmem:s31+$0x5D00];
	_ =	sdelay $0x4  }
0xeb: {  	[tilespmem:s0+$0x4020] =	vst v0  }
0xec: {  	v0 =	vld [tilespmem:s31+$0x6500];
	_ =	sdelay $0x4  }
0xed: {  	[tilespmem:s0+$0x4030] =	vst v0  }
0xee: {  	v0 =	vld [tilespmem:s31+$0x6D00];
	_ =	sdelay $0x4  }
0xef: {  	[tilespmem:s0+$0x4040] =	vst v0  }
0xf0: {  	v0 =	vld [tilespmem:s31+$0x7500];
	_ =	sdelay $0x4  }
0xf1: {  	[tilespmem:s0+$0x4050] =	vst v0  }
0xf2: {  	v0 =	vld [tilespmem:s31+$0x7D00];
	_ =	sdelay $0x4  }
0xf3: {  	[tilespmem:s0+$0x4060] =	vst v0  }
0xf4: {  	v0 =	vld [tilespmem:s31+$0x8500];
	_ =	sdelay $0x4  }
0xf5: {  	[tilespmem:s0+$0x4070] =	vst v0  }
0xf6: {  	v0 =	vld [tilespmem:s31+$0x8D00];
	_ =	sdelay $0x4  }
0xf7: {  	[tilespmem:s0+$0x8000] =	vst v0  }
0xf8: {  	v0 =	vld [tilespmem:s31+$0x9500];
	_ =	sdelay $0x4  }
0xf9: {  	[tilespmem:s0+$0x8010] =	vst v0  }
0xfa: {  	v0 =	vld [tilespmem:s31+$0x9D00];
	_ =	sdelay $0x4  }
0xfb: {  	[tilespmem:s0+$0x8020] =	vst v0  }
0xfc: {  	v0 =	vld [tilespmem:s31+$0xA500];
	_ =	sdelay $0x4  }
0xfd: {  	[tilespmem:s0+$0x8030] =	vst v0  }
0xfe: {  	v0 =	vld [tilespmem:s31+$0xAD00];
	_ =	sdelay $0x4  }
0xff: {  	[tilespmem:s0+$0x8040] =	vst v0  }
0x100: {  	v0 =	vld [tilespmem:s31+$0xB500];
	_ =	sdelay $0x4  }
0x101: {  	[tilespmem:s0+$0x8050] =	vst v0  }
0x102: {  	v0 =	vld [tilespmem:s31+$0xBD00];
	_ =	sdelay $0x4  }
0x103: {  	[tilespmem:s0+$0x8060] =	vst v0  }
0x104: {  	v0 =	vld [tilespmem:s31+$0xC500];
	_ =	sdelay $0x4  }
0x105: {  	[tilespmem:s0+$0x8070] =	vst v0  }
0x106: {  	v0 =	vld [tilespmem:s31+$0xCD00];
	_ =	sdelay $0x4  }
0x107: {  	[tilespmem:s0+$0xC000] =	vst v0  }
0x108: {  	v0 =	vld [tilespmem:s31+$0xD500];
	_ =	sdelay $0x4  }
0x109: {  	s30 =	simm.s32 $0xDD00;
	[tilespmem:s0+$0xC010] =	vst v0  }
0x10a: {  	[hbm4b:s6+s13] =	stream.strided.scatter [tilespmem:s30], [sflag:$0x2], $0x10000, s14, s13, $0x38;
	[tilespmem:$0x1DD00] =	vst v63  }
0x10b: {  	_ =	swait.ge [sflag:s10], $0x10000  }
0x10c: {  	[sflag:s10] =	ssyncset.done $0x0  }
0x10d: {  	s16 =	simm.s32 $0x0;
	[sflag:s10] =	ssyncadd.s32 $0xFFFF0000  }
0x10e: {  	[tilespmem:s16], [sflag:$0x2] =	stream.linear.gather [hbm4b:s7+s16], $0xD00, $0x38;
	[tilespmem:$0x1DD00] =	vst v63  }
0x10f: {  	_ =	swait.ge [sflag:s10], $0xD00  }
0x110: {  	[sflag:s10] =	ssyncset.done $0x0  }
0x111: {  	s1 =	simm.s32 $0xD00;
	[sflag:s10] =	ssyncadd.s32 $0xFFFFF300  }
0x112: {  	[tilespmem:s1], [sflag:$0x1] =	stream.indirect.gather [hbm4b:s4+s11], $0x10, s16, s11, $0xb8;
	[tilespmem:$0x1DD00] =	vst v63  }
0x113: {  	s1 =	simm.s32 $0x1500  }
0x114: {  	[tilespmem:s1], [sflag:$0x1] =	stream.indirect.gather [hbm4b:s4+s11], $0x10, s11, s11, $0xb8;
	[tilespmem:$0x1DD00] =	vst v63  }
0x115: {  	s3 =	simm.s32 $0x100;
	s16 =	simm.s32 $0x1D00  }
0x116: {  	[tilespmem:s16], [sflag:$0x1] =	stream.indirect.gather [hbm4b:s4+s11], $0x10, s3, s11, $0xb8;
	[tilespmem:$0x1DD00] =	vst v63  }
0x117: {  	s3 =	simm.s32 $0x180;
	s16 =	simm.s32 $0x2500  }
0x118: {  	[tilespmem:s16], [sflag:$0x1] =	stream.indirect.gather [hbm4b:s4+s11], $0x10, s3, s11, $0xb8;
	[tilespmem:$0x1DD00] =	vst v63  }
0x119: {  	s3 =	simm.s32 $0x200;
	s16 =	simm.s32 $0x2D00  }
0x11a: {  	[tilespmem:s16], [sflag:$0x1] =	stream.indirect.gather [hbm4b:s4+s11], $0x10, s3, s11, $0xb8;
	[tilespmem:$0x1DD00] =	vst v63  }
0x11b: {  	s3 =	simm.s32 $0x280;
	s16 =	simm.s32 $0x3500  }
0x11c: {  	[tilespmem:s16], [sflag:$0x1] =	stream.indirect.gather [hbm4b:s4+s11], $0x10, s3, s11, $0xb8;
	[tilespmem:$0x1DD00] =	vst v63  }
0x11d: {  	s3 =	simm.s32 $0x300;
	s16 =	simm.s32 $0x3D00  }
0x11e: {  	[tilespmem:s16], [sflag:$0x1] =	stream.indirect.gather [hbm4b:s4+s11], $0x10, s3, s11, $0xb8;
	[tilespmem:$0x1DD00] =	vst v63  }
0x11f: {  	s3 =	simm.s32 $0x380;
	s16 =	simm.s32 $0x4500  }
0x120: {  	[tilespmem:s16], [sflag:$0x1] =	stream.indirect.gather [hbm4b:s4+s11], $0x10, s3, s11, $0xb8;
	[tilespmem:$0x1DD00] =	vst v63  }
0x121: {  	s3 =	simm.s32 $0x400;
	s16 =	simm.s32 $0x4D00  }
0x122: {  	[tilespmem:s16], [sflag:$0x1] =	stream.indirect.gather [hbm4b:s4+s11], $0x10, s3, s11, $0xb8;
	[tilespmem:$0x1DD00] =	vst v63  }
0x123: {  	s3 =	simm.s32 $0x480;
	s16 =	simm.s32 $0x5500  }
0x124: {  	[tilespmem:s16], [sflag:$0x1] =	stream.indirect.gather [hbm4b:s4+s11], $0x10, s3, s11, $0xb8;
	[tilespmem:$0x1DD00] =	vst v63  }
0x125: {  	s3 =	simm.s32 $0x500;
	s16 =	simm.s32 $0x5D00  }
0x126: {  	[tilespmem:s16], [sflag:$0x1] =	stream.indirect.gather [hbm4b:s4+s11], $0x10, s3, s11, $0xb8;
	[tilespmem:$0x1DD00] =	vst v63  }
0x127: {  	s3 =	simm.s32 $0x580;
	s16 =	simm.s32 $0x6500  }
0x128: {  	[tilespmem:s16], [sflag:$0x1] =	stream.indirect.gather [hbm4b:s4+s11], $0x10, s3, s11, $0xb8;
	[tilespmem:$0x1DD00] =	vst v63  }
0x129: {  	s3 =	simm.s32 $0x600;
	s16 =	simm.s32 $0x6D00  }
0x12a: {  	[tilespmem:s16], [sflag:$0x1] =	stream.indirect.gather [hbm4b:s4+s11], $0x10, s3, s11, $0xb8;
	[tilespmem:$0x1DD00] =	vst v63  }
0x12b: {  	s3 =	simm.s32 $0x680;
	s16 =	simm.s32 $0x7500  }
0x12c: {  	[tilespmem:s16], [sflag:$0x1] =	stream.indirect.gather [hbm4b:s4+s11], $0x10, s3, s11, $0xb8;
	[tilespmem:$0x1DD00] =	vst v63  }
0x12d: {  	s3 =	simm.s32 $0x700;
	s16 =	simm.s32 $0x7D00  }
0x12e: {  	[tilespmem:s16], [sflag:$0x1] =	stream.indirect.gather [hbm4b:s4+s11], $0x10, s3, s11, $0xb8;
	[tilespmem:$0x1DD00] =	vst v63  }
0x12f: {  	s3 =	simm.s32 $0x780;
	s16 =	simm.s32 $0x8500  }
0x130: {  	[tilespmem:s16], [sflag:$0x1] =	stream.indirect.gather [hbm4b:s4+s11], $0x10, s3, s11, $0xb8;
	[tilespmem:$0x1DD00] =	vst v63  }
0x131: {  	s3 =	simm.s32 $0x800;
	s16 =	simm.s32 $0x8D00  }
0x132: {  	[tilespmem:s16], [sflag:$0x1] =	stream.indirect.gather [hbm4b:s4+s11], $0x10, s3, s11, $0xb8;
	[tilespmem:$0x1DD00] =	vst v63  }
0x133: {  	s3 =	simm.s32 $0x880;
	s16 =	simm.s32 $0x9500  }
0x134: {  	[tilespmem:s16], [sflag:$0x1] =	stream.indirect.gather [hbm4b:s4+s11], $0x10, s3, s11, $0xb8;
	[tilespmem:$0x1DD00] =	vst v63  }
0x135: {  	s3 =	simm.s32 $0x900;
	s16 =	simm.s32 $0x9D00  }
0x136: {  	[tilespmem:s16], [sflag:$0x1] =	stream.indirect.gather [hbm4b:s4+s11], $0x10, s3, s11, $0xb8;
	[tilespmem:$0x1DD00] =	vst v63  }
0x137: {  	s3 =	simm.s32 $0x980;
	s16 =	simm.s32 $0xA500  }
0x138: {  	[tilespmem:s16], [sflag:$0x1] =	stream.indirect.gather [hbm4b:s4+s11], $0x10, s3, s11, $0xb8;
	[tilespmem:$0x1DD00] =	vst v63  }
0x139: {  	s3 =	simm.s32 $0xA00  }
0x13a: {  	[tilespmem:s17], [sflag:$0x1] =	stream.indirect.gather [hbm4b:s4+s11], $0x10, s3, s11, $0xb8;
	[tilespmem:$0x1DD00] =	vst v63  }
0x13b: {  	_ = 	snop  }
0x13c: {  	[tilespmem:s19], [sflag:$0x1] =	stream.indirect.gather [hbm4b:s4+s11], $0x10, s18, s11, $0xb8;
	[tilespmem:$0x1DD00] =	vst v63  }
0x13d: {  	_ = 	snop  }
0x13e: {  	[tilespmem:s21], [sflag:$0x1] =	stream.indirect.gather [hbm4b:s4+s11], $0x10, s20, s11, $0xb8;
	[tilespmem:$0x1DD00] =	vst v63  }
0x13f: {  	_ = 	snop  }
0x140: {  	[tilespmem:s22], [sflag:$0x1] =	stream.indirect.gather [hbm4b:s4+s11], $0x10, s2, s11, $0xb8;
	[tilespmem:$0x1DD00] =	vst v63  }
0x141: {  	_ = 	snop  }
0x142: {  	[tilespmem:s24], [sflag:$0x1] =	stream.indirect.gather [hbm4b:s4+s11], $0x10, s23, s11, $0xb8;
	[tilespmem:$0x1DD00] =	vst v63  }
0x143: {  	_ = 	snop  }
0x144: {  	[tilespmem:s26], [sflag:$0x1] =	stream.indirect.gather [hbm4b:s4+s11], $0x10, s25, s11, $0xb8;
	[tilespmem:$0x1DD00] =	vst v63  }
0x145: {  	_ =	swait.ge [sflag:s12], $0x800  }
0x146: {  	[sflag:s12] =	ssyncset.done $0x0  }
0x147: {  	[sflag:s12] =	ssyncadd.s32 $0xFFFFF800  }
0x148: {  	_ =	swait.ge [sflag:s12], $0x800  }
0x149: {  	[sflag:s12] =	ssyncset.done $0x0  }
0x14a: {  	[sflag:s12] =	ssyncadd.s32 $0xFFFFF800  }
0x14b: {  	_ =	swait.ge [sflag:s12], $0x800  }
0x14c: {  	[sflag:s12] =	ssyncset.done $0x0  }
0x14d: {  	[sflag:s12] =	ssyncadd.s32 $0xFFFFF800  }
0x14e: {  	_ =	swait.ge [sflag:s12], $0x800  }
0x14f: {  	[sflag:s12] =	ssyncset.done $0x0  }
0x150: {  	[sflag:s12] =	ssyncadd.s32 $0xFFFFF800  }
0x151: {  	_ =	swait.ge [sflag:s12], $0x800  }
0x152: {  	[sflag:s12] =	ssyncset.done $0x0  }
0x153: {  	[sflag:s12] =	ssyncadd.s32 $0xFFFFF800  }
0x154: {  	_ =	swait.ge [sflag:s12], $0x800  }
0x155: {  	[sflag:s12] =	ssyncset.done $0x0  }
0x156: {  	[sflag:s12] =	ssyncadd.s32 $0xFFFFF800  }
0x157: {  	_ =	swait.ge [sflag:s12], $0x800  }
0x158: {  	[sflag:s12] =	ssyncset.done $0x0  }
0x159: {  	[sflag:s12] =	ssyncadd.s32 $0xFFFFF800  }
0x15a: {  	_ =	swait.ge [sflag:s12], $0x800  }
0x15b: {  	[sflag:s12] =	ssyncset.done $0x0  }
0x15c: {  	[sflag:s12] =	ssyncadd.s32 $0xFFFFF800  }
0x15d: {  	_ =	swait.ge [sflag:s12], $0x800  }
0x15e: {  	[sflag:s12] =	ssyncset.done $0x0  }
0x15f: {  	[sflag:s12] =	ssyncadd.s32 $0xFFFFF800  }
0x160: {  	_ =	swait.ge [sflag:s12], $0x800  }
0x161: {  	[sflag:s12] =	ssyncset.done $0x0  }
0x162: {  	[sflag:s12] =	ssyncadd.s32 $0xFFFFF800  }
0x163: {  	_ =	swait.ge [sflag:s12], $0x800  }
0x164: {  	[sflag:s12] =	ssyncset.done $0x0  }
0x165: {  	[sflag:s12] =	ssyncadd.s32 $0xFFFFF800  }
0x166: {  	_ =	swait.ge [sflag:s12], $0x800  }
0x167: {  	[sflag:s12] =	ssyncset.done $0x0  }
0x168: {  	[sflag:s12] =	ssyncadd.s32 $0xFFFFF800  }
0x169: {  	_ =	swait.ge [sflag:s12], $0x800  }
0x16a: {  	[sflag:s12] =	ssyncset.done $0x0  }
0x16b: {  	[sflag:s12] =	ssyncadd.s32 $0xFFFFF800  }
0x16c: {  	_ =	swait.ge [sflag:s12], $0x800  }
0x16d: {  	[sflag:s12] =	ssyncset.done $0x0  }
0x16e: {  	[sflag:s12] =	ssyncadd.s32 $0xFFFFF800  }
0x16f: {  	_ =	swait.ge [sflag:s12], $0x800  }
0x170: {  	[sflag:s12] =	ssyncset.done $0x0  }
0x171: {  	[sflag:s12] =	ssyncadd.s32 $0xFFFFF800  }
0x172: {  	_ =	swait.ge [sflag:s12], $0x800  }
0x173: {  	[sflag:s12] =	ssyncset.done $0x0  }
0x174: {  	[sflag:s12] =	ssyncadd.s32 $0xFFFFF800  }
0x175: {  	_ =	swait.ge [sflag:s12], $0x800  }
0x176: {  	[sflag:s12] =	ssyncset.done $0x0  }
0x177: {  	[sflag:s12] =	ssyncadd.s32 $0xFFFFF800  }
0x178: {  	_ =	swait.ge [sflag:s12], $0x800  }
0x179: {  	[sflag:s12] =	ssyncset.done $0x0  }
0x17a: {  	[sflag:s12] =	ssyncadd.s32 $0xFFFFF800  }
0x17b: {  	_ =	swait.ge [sflag:s12], $0x800  }
0x17c: {  	[sflag:s12] =	ssyncset.done $0x0  }
0x17d: {  	[sflag:s12] =	ssyncadd.s32 $0xFFFFF800  }
0x17e: {  	_ =	swait.ge [sflag:s12], $0x800  }
0x17f: {  	[sflag:s12] =	ssyncset.done $0x0  }
0x180: {  	[sflag:s12] =	ssyncadd.s32 $0xFFFFF800  }
0x181: {  	_ =	swait.ge [sflag:s12], $0x800  }
0x182: {  	[sflag:s12] =	ssyncset.done $0x0  }
0x183: {  	[sflag:s12] =	ssyncadd.s32 $0xFFFFF800  }
0x184: {  	_ =	swait.ge [sflag:s12], $0x800  }
0x185: {  	[sflag:s12] =	ssyncset.done $0x0  }
0x186: {  	[sflag:s12] =	ssyncadd.s32 $0xFFFFF800  }
0x187: {  	_ =	swait.ge [sflag:s12], $0x800  }
0x188: {  	[sflag:s12] =	ssyncset.done $0x0  }
0x189: {  	[sflag:s12] =	ssyncadd.s32 $0xFFFFF800  }
0x18a: {  	_ =	swait.ge [sflag:s12], $0x800  }
0x18b: {  	[sflag:s12] =	ssyncset.done $0x0  }
0x18c: {  	[sflag:s12] =	ssyncadd.s32 $0xFFFFF800  }
0x18d: {  	_ =	swait.ge [sflag:s12], $0x800  }
0x18e: {  	[sflag:s12] =	ssyncset.done $0x0  }
0x18f: {  	[sflag:s12] =	ssyncadd.s32 $0xFFFFF800  }
0x190: {  	_ =	swait.ge [sflag:s12], $0x800  }
0x191: {  	[sflag:s12] =	ssyncset.done $0x0  }
0x192: {  	s16 =	simm.s32 $0x0;
	[sflag:s12] =	ssyncadd.s32 $0xFFFFF800  }
0x193: {  	v63 =	vld [tilespmem:s16+$0xD00];
	_ =	sdelay $0x4  }
0x194: {  	[tilespmem:s30+$0x0] =	vst v63  }
0x195: {  	v0 =	vld [tilespmem:s16+$0x1500];
	_ =	sdelay $0x4  }
0x196: {  	[tilespmem:s30+$0x10] =	vst v0  }
0x197: {  	v0 =	vld [tilespmem:s16+$0x1D00];
	_ =	sdelay $0x4  }
0x198: {  	[tilespmem:s30+$0x20] =	vst v0  }
0x199: {  	v0 =	vld [tilespmem:s16+$0x2500];
	_ =	sdelay $0x4  }
0x19a: {  	[tilespmem:s30+$0x30] =	vst v0  }
0x19b: {  	v0 =	vld [tilespmem:s16+$0x2D00];
	_ =	sdelay $0x4  }
0x19c: {  	[tilespmem:s30+$0x40] =	vst v0  }
0x19d: {  	v0 =	vld [tilespmem:s16+$0x3500];
	_ =	sdelay $0x4  }
0x19e: {  	[tilespmem:s30+$0x50] =	vst v0  }
0x19f: {  	v0 =	vld [tilespmem:s16+$0x3D00];
	_ =	sdelay $0x4  }
0x1a0: {  	[tilespmem:s30+$0x60] =	vst v0  }
0x1a1: {  	v0 =	vld [tilespmem:s16+$0x4500];
	_ =	sdelay $0x4  }
0x1a2: {  	[tilespmem:s30+$0x70] =	vst v0  }
0x1a3: {  	v0 =	vld [tilespmem:s16+$0x4D00];
	_ =	sdelay $0x4  }
0x1a4: {  	[tilespmem:s30+$0x4000] =	vst v0  }
0x1a5: {  	v0 =	vld [tilespmem:s16+$0x5500];
	_ =	sdelay $0x4  }
0x1a6: {  	[tilespmem:s30+$0x4010] =	vst v0  }
0x1a7: {  	v0 =	vld [tilespmem:s16+$0x5D00];
	_ =	sdelay $0x4  }
0x1a8: {  	[tilespmem:s30+$0x4020] =	vst v0  }
0x1a9: {  	v0 =	vld [tilespmem:s16+$0x6500];
	_ =	sdelay $0x4  }
0x1aa: {  	[tilespmem:s30+$0x4030] =	vst v0  }
0x1ab: {  	v0 =	vld [tilespmem:s16+$0x6D00];
	_ =	sdelay $0x4  }
0x1ac: {  	[tilespmem:s30+$0x4040] =	vst v0  }
0x1ad: {  	v0 =	vld [tilespmem:s16+$0x7500];
	_ =	sdelay $0x4  }
0x1ae: {  	[tilespmem:s30+$0x4050] =	vst v0  }
0x1af: {  	v0 =	vld [tilespmem:s16+$0x7D00];
	_ =	sdelay $0x4  }
0x1b0: {  	[tilespmem:s30+$0x4060] =	vst v0  }
0x1b1: {  	v0 =	vld [tilespmem:s16+$0x8500];
	_ =	sdelay $0x4  }
0x1b2: {  	[tilespmem:s30+$0x4070] =	vst v0  }
0x1b3: {  	v0 =	vld [tilespmem:s16+$0x8D00];
	_ =	sdelay $0x4  }
0x1b4: {  	[tilespmem:s30+$0x8000] =	vst v0  }
0x1b5: {  	v0 =	vld [tilespmem:s16+$0x9500];
	_ =	sdelay $0x4  }
0x1b6: {  	[tilespmem:s30+$0x8010] =	vst v0  }
0x1b7: {  	v0 =	vld [tilespmem:s16+$0x9D00];
	_ =	sdelay $0x4  }
0x1b8: {  	[tilespmem:s30+$0x8020] =	vst v0  }
0x1b9: {  	v0 =	vld [tilespmem:s16+$0xA500];
	_ =	sdelay $0x4  }
0x1ba: {  	[tilespmem:s30+$0x8030] =	vst v0  }
0x1bb: {  	v0 =	vld [tilespmem:s16+$0xAD00];
	_ =	sdelay $0x4  }
0x1bc: {  	[tilespmem:s30+$0x8040] =	vst v0  }
0x1bd: {  	v0 =	vld [tilespmem:s16+$0xB500];
	_ =	sdelay $0x4  }
0x1be: {  	[tilespmem:s30+$0x8050] =	vst v0  }
0x1bf: {  	v0 =	vld [tilespmem:s16+$0xBD00];
	_ =	sdelay $0x4  }
0x1c0: {  	[tilespmem:s30+$0x8060] =	vst v0  }
0x1c1: {  	v0 =	vld [tilespmem:s16+$0xC500];
	_ =	sdelay $0x4  }
0x1c2: {  	[tilespmem:s30+$0x8070] =	vst v0  }
0x1c3: {  	v0 =	vld [tilespmem:s16+$0xCD00];
	_ =	sdelay $0x4  }
0x1c4: {  	[tilespmem:s30+$0xC000] =	vst v0  }
0x1c5: {  	v0 =	vld [tilespmem:s16+$0xD500];
	_ =	sdelay $0x4  }
0x1c6: {  	s31 =	simm.s32 $0x10;
	s1 =	simm.s32 $0x80;
	[tilespmem:s30+$0xC010] =	vst v0  }
.LBB2_6:
0x1c7: {  	p0 =	sne.s32 s1, $0x1FC0;
	v0 =	vld [tilespmem:s31+$0xD00];
	_ =	sdelay $0x3  }
0x1c8: {  	s30 =	sadd.s32 $0x80, s30  }
0x1c9: {  	[tilespmem:s30+$0x0] =	vst v0  }
0x1ca: {  	v0 =	vld [tilespmem:s31+$0x1500];
	_ =	sdelay $0x4  }
0x1cb: {  	[tilespmem:s30+$0x10] =	vst v0  }
0x1cc: {  	v0 =	vld [tilespmem:s31+$0x1D00];
	_ =	sdelay $0x4  }
0x1cd: {  	[tilespmem:s30+$0x20] =	vst v0  }
0x1ce: {  	v0 =	vld [tilespmem:s31+$0x2500];
	_ =	sdelay $0x4  }
0x1cf: {  	[tilespmem:s30+$0x30] =	vst v0  }
0x1d0: {  	v0 =	vld [tilespmem:s31+$0x2D00];
	_ =	sdelay $0x4  }
0x1d1: {  	[tilespmem:s30+$0x40] =	vst v0  }
0x1d2: {  	v0 =	vld [tilespmem:s31+$0x3500];
	_ =	sdelay $0x4  }
0x1d3: {  	[tilespmem:s30+$0x50] =	vst v0  }
0x1d4: {  	v0 =	vld [tilespmem:s31+$0x3D00];
	_ =	sdelay $0x4  }
0x1d5: {  	[tilespmem:s30+$0x60] =	vst v0  }
0x1d6: {  	v0 =	vld [tilespmem:s31+$0x4500];
	_ =	sdelay $0x4  }
0x1d7: {  	[tilespmem:s30+$0x70] =	vst v0  }
0x1d8: {  	v0 =	vld [tilespmem:s31+$0x4D00];
	_ =	sdelay $0x4  }
0x1d9: {  	[tilespmem:s30+$0x4000] =	vst v0  }
0x1da: {  	v0 =	vld [tilespmem:s31+$0x5500];
	_ =	sdelay $0x4  }
0x1db: {  	[tilespmem:s30+$0x4010] =	vst v0  }
0x1dc: {  	v0 =	vld [tilespmem:s31+$0x5D00];
	_ =	sdelay $0x4  }
0x1dd: {  	[tilespmem:s30+$0x4020] =	vst v0  }
0x1de: {  	v0 =	vld [tilespmem:s31+$0x6500];
	_ =	sdelay $0x4  }
0x1df: {  	[tilespmem:s30+$0x4030] =	vst v0  }
0x1e0: {  	v0 =	vld [tilespmem:s31+$0x6D00];
	_ =	sdelay $0x4  }
0x1e1: {  	[tilespmem:s30+$0x4040] =	vst v0  }
0x1e2: {  	v0 =	vld [tilespmem:s31+$0x7500];
	_ =	sdelay $0x4  }
0x1e3: {  	[tilespmem:s30+$0x4050] =	vst v0  }
0x1e4: {  	v0 =	vld [tilespmem:s31+$0x7D00];
	_ =	sdelay $0x4  }
0x1e5: {  	[tilespmem:s30+$0x4060] =	vst v0  }
0x1e6: {  	v0 =	vld [tilespmem:s31+$0x8500];
	_ =	sdelay $0x4  }
0x1e7: {  	[tilespmem:s30+$0x4070] =	vst v0  }
0x1e8: {  	v0 =	vld [tilespmem:s31+$0x8D00];
	_ =	sdelay $0x4  }
0x1e9: {  	[tilespmem:s30+$0x8000] =	vst v0  }
0x1ea: {  	v0 =	vld [tilespmem:s31+$0x9500];
	_ =	sdelay $0x4  }
0x1eb: {  	[tilespmem:s30+$0x8010] =	vst v0  }
0x1ec: {  	v0 =	vld [tilespmem:s31+$0x9D00];
	_ =	sdelay $0x4  }
0x1ed: {  	[tilespmem:s30+$0x8020] =	vst v0  }
0x1ee: {  	v0 =	vld [tilespmem:s31+$0xA500];
	_ =	sdelay $0x4  }
0x1ef: {  	[tilespmem:s30+$0x8030] =	vst v0  }
0x1f0: {  	v0 =	vld [tilespmem:s31+$0xAD00];
	_ =	sdelay $0x4  }
0x1f1: {  	[tilespmem:s30+$0x8040] =	vst v0  }
0x1f2: {  	v0 =	vld [tilespmem:s31+$0xB500];
	_ =	sdelay $0x4  }
0x1f3: {  	[tilespmem:s30+$0x8050] =	vst v0  }
0x1f4: {  	v0 =	vld [tilespmem:s31+$0xBD00];
	_ =	sdelay $0x4  }
0x1f5: {  	[tilespmem:s30+$0x8060] =	vst v0  }
0x1f6: {  	v0 =	vld [tilespmem:s31+$0xC500];
	_ =	sdelay $0x4  }
0x1f7: {  	[tilespmem:s30+$0x8070] =	vst v0  }
0x1f8: {  	v0 =	vld [tilespmem:s31+$0xCD00];
	_ =	sdelay $0x4  }
0x1f9: {  	[tilespmem:s30+$0xC000] =	vst v0  }
0x1fa: {  	v0 =	vld [tilespmem:s31+$0xD500]  }
.Ltmp2:
0x1fb: {  	(pc) =	sbr.rel @p0 .LBB2_6-.Ltmp2, $2  }
0x1fc: {  	_ =	sdelay $0x2  }
0x1fd: {  	s31 =	sshra.s32 s1, $0x2;
	s1 =	sadd.s32 $0x40, s1;
	[tilespmem:s30+$0xC010] =	vst v0  }
0x1fe: {  	v0 =	vld [tilespmem:s31+$0xD00];
	_ =	sdelay $0x3  }
0x1ff: {  	s0 =	sadd.s32 $0x80, s30  }
0x200: {  	[tilespmem:s0+$0x0] =	vst v0  }
0x201: {  	v0 =	vld [tilespmem:s31+$0x1500];
	_ =	sdelay $0x4  }
0x202: {  	[tilespmem:s0+$0x10] =	vst v0  }
0x203: {  	v0 =	vld [tilespmem:s31+$0x1D00];
	_ =	sdelay $0x4  }
0x204: {  	[tilespmem:s0+$0x20] =	vst v0  }
0x205: {  	v0 =	vld [tilespmem:s31+$0x2500];
	_ =	sdelay $0x4  }
0x206: {  	[tilespmem:s0+$0x30] =	vst v0  }
0x207: {  	v0 =	vld [tilespmem:s31+$0x2D00];
	_ =	sdelay $0x4  }
0x208: {  	[tilespmem:s0+$0x40] =	vst v0  }
0x209: {  	v0 =	vld [tilespmem:s31+$0x3500];
	_ =	sdelay $0x4  }
0x20a: {  	[tilespmem:s0+$0x50] =	vst v0  }
0x20b: {  	v0 =	vld [tilespmem:s31+$0x3D00];
	_ =	sdelay $0x4  }
0x20c: {  	[tilespmem:s0+$0x60] =	vst v0  }
0x20d: {  	v0 =	vld [tilespmem:s31+$0x4500];
	_ =	sdelay $0x4  }
0x20e: {  	[tilespmem:s0+$0x70] =	vst v0  }
0x20f: {  	v0 =	vld [tilespmem:s31+$0x4D00];
	_ =	sdelay $0x4  }
0x210: {  	[tilespmem:s0+$0x4000] =	vst v0  }
0x211: {  	v0 =	vld [tilespmem:s31+$0x5500];
	_ =	sdelay $0x4  }
0x212: {  	[tilespmem:s0+$0x4010] =	vst v0  }
0x213: {  	v0 =	vld [tilespmem:s31+$0x5D00];
	_ =	sdelay $0x4  }
0x214: {  	[tilespmem:s0+$0x4020] =	vst v0  }
0x215: {  	v0 =	vld [tilespmem:s31+$0x6500];
	_ =	sdelay $0x4  }
0x216: {  	[tilespmem:s0+$0x4030] =	vst v0  }
0x217: {  	v0 =	vld [tilespmem:s31+$0x6D00];
	_ =	sdelay $0x4  }
0x218: {  	[tilespmem:s0+$0x4040] =	vst v0  }
0x219: {  	v0 =	vld [tilespmem:s31+$0x7500];
	_ =	sdelay $0x4  }
0x21a: {  	[tilespmem:s0+$0x4050] =	vst v0  }
0x21b: {  	v0 =	vld [tilespmem:s31+$0x7D00];
	_ =	sdelay $0x4  }
0x21c: {  	[tilespmem:s0+$0x4060] =	vst v0  }
0x21d: {  	v0 =	vld [tilespmem:s31+$0x8500];
	_ =	sdelay $0x4  }
0x21e: {  	[tilespmem:s0+$0x4070] =	vst v0  }
0x21f: {  	v0 =	vld [tilespmem:s31+$0x8D00];
	_ =	sdelay $0x4  }
0x220: {  	[tilespmem:s0+$0x8000] =	vst v0  }
0x221: {  	v0 =	vld [tilespmem:s31+$0x9500];
	_ =	sdelay $0x4  }
0x222: {  	[tilespmem:s0+$0x8010] =	vst v0  }
0x223: {  	v0 =	vld [tilespmem:s31+$0x9D00];
	_ =	sdelay $0x4  }
0x224: {  	[tilespmem:s0+$0x8020] =	vst v0  }
0x225: {  	v0 =	vld [tilespmem:s31+$0xA500];
	_ =	sdelay $0x4  }
0x226: {  	[tilespmem:s0+$0x8030] =	vst v0  }
0x227: {  	v0 =	vld [tilespmem:s31+$0xAD00];
	_ =	sdelay $0x4  }
0x228: {  	[tilespmem:s0+$0x8040] =	vst v0  }
0x229: {  	v0 =	vld [tilespmem:s31+$0xB500];
	_ =	sdelay $0x4  }
0x22a: {  	[tilespmem:s0+$0x8050] =	vst v0  }
0x22b: {  	v0 =	vld [tilespmem:s31+$0xBD00];
	_ =	sdelay $0x4  }
0x22c: {  	[tilespmem:s0+$0x8060] =	vst v0  }
0x22d: {  	v0 =	vld [tilespmem:s31+$0xC500];
	_ =	sdelay $0x4  }
0x22e: {  	[tilespmem:s0+$0x8070] =	vst v0  }
0x22f: {  	v0 =	vld [tilespmem:s31+$0xCD00];
	_ =	sdelay $0x4  }
0x230: {  	[tilespmem:s0+$0xC000] =	vst v0  }
0x231: {  	v0 =	vld [tilespmem:s31+$0xD500];
	_ =	sdelay $0x2  }
0x232: {  	s29 =	sadd.s32 $0x1, s29  }
0x233: {  	p0 =	sne.s32 s29, s9  }
.Ltmp3:
0x234: {  	[tilespmem:s0+$0xC010] =	vst v0;
	(pc) =	sbr.rel @p0 .LBB2_1-.Ltmp3, $4  }
0x235: {  	[hbm4b:s8+s13] =	stream.strided.scatter [tilespmem:s28], [sflag:$0x2], $0x10000, s14, s13, $0x38;
	[tilespmem:$0x1DD00] =	vst v63  }
0x236: {  	_ =	swait.ge [sflag:s10], $0x10000  }
0x237: {  	[sflag:s10] =	ssyncset.done $0x0  }
0x238: {  	[sflag:s10] =	ssyncadd.s32 $0xFFFF0000  }
0x239: {  	_ =	sfence.sel $0x180000  }
0x23a: {  	[bflag:$0x0] =	sbarrier.arrive $0xFFFF  }
0x23b: {  	_ =	strace $0x90000047  }
0x23c: {  	s0 =	stileid.u32;
	[bflag:$0x2] =	sbarrier.arrive $0xFFFF  }
0x23d: {  	p0 =	sne.s32 s0, $0x0;
	s0 =	rddreg [dreg:$0x1]  }
0x23e: {  	s0 =	sadd.s32 @!p0 $0x100000, s0  }
0x23f: {  	[sflag:s0] =	ssyncadd.tile.s32 @!p0 $0x1;
	_ =	shalt  }
.Lfunc_end2:
_tile_overlayer_lowered:
.L_overlay_start_2:
0x240: {  	(tag) =	ssettag $0x2  }
0x241: {  	s0 =	rddreg [dreg:$0x0];
	s2 =	stileid.u32  }
0x242: {  	s1 =	rddreg [dreg:$0x1];
	p0 =	sne.s32 s2, $0x0  }
0x243: {  	s3 =	rddreg [dreg:$0x2];
	[bflag:$0x3] =	sbarrier.arrive $0xFFFF;
	s2 =	simm.s32 @!p0 $0x1C02  }
0x244: {  	[timem:s3], [sflag:s2] =	dma.local @!p0 [hbm:s0], s1  }
0x245: {  	s0 =	simm.s32 @!p0 $0x2  }
0x246: {  	_ =	swait.ge @!p0 [sflag:s0], s1  }
0x247: {  	s1 =	ssub.s32 @!p0 $0x0, s1;
	[sflag:s0] =	ssyncset.done @!p0 $0x0  }
0x248: {  	[sflag:s0] =	ssyncadd.s32 @!p0 s1  }
0x249: {  	[bflag:$0x3] =	sbarrier.arrive $0xFFFF  }
0x24a: {  	_ =	shalt  }

</sc_bundles>
